<compile_context>
chip_gen: v7x
topology: tpu7x:2x2x1
jax: 0.10.2.dev20260603
libtpu: 0.0.44.dev20260713+nightly
codegen_flags: <defaults>
</compile_context>

<pallas_src>
import functools

import jax
import jax.numpy as jnp
import numpy as np
from jax import lax
from jax.experimental import pallas as pl
from jax.experimental.pallas import tpu as pltpu
from jax.experimental.pallas import tpu_sc as plsc

D_MODEL = 1024
SEQ_LEN = 2048
HALF = D_MODEL // 2

_NP_SPECS = (
    (4096, 2048, -1),
    (2048, 2048, -2),
    (1024, 2048, -4),
    (512, 2048, -8),
    (512, -2020, -1),
)

_POOL_N = (4096, 2048, 1024)

_ROWS_PER_STEP = 512


def _pe_body(vals_ref, invf_ref, *out_refs, starts):
    i = pl.program_id(0)
    v = vals_ref[0, 0, :]
    invf = invf_ref[0, :]
    arg8 = v[:8][:, None] * invf[None, :]
    s8 = jnp.sin(arg8)
    c8 = jnp.cos(arg8)
    d = v[1:2] - v[0:1]
    rots = []
    n = 8
    while n < _ROWS_PER_STEP:
        rot = (n * d)[:, None] * invf[None, :]
        rots.append((n, jnp.sin(rot), jnp.cos(rot)))
        n *= 2
    for k, ref in enumerate(out_refs):
        lo, hi = starts[k], starts[k + 1]

        @pl.when((i >= lo) & (i < hi))
        def _():
            ref[0:8, :HALF] = s8
            ref[0:8, HALF:] = c8
            for n, rs, rc in rots:
                s = ref[0:n, :HALF]
                c = ref[0:n, HALF:]
                ref[n:2 * n, :HALF] = s * rc + c * rs
                ref[n:2 * n, HALF:] = c * rc - s * rs


def _build_nps(dtype):
    nblocks = [n // _ROWS_PER_STEP for (n, _, _) in _NP_SPECS]
    starts = [0]
    for nb in nblocks:
        starts.append(starts[-1] + nb)
    total_steps = starts[-1]

    vals = np.concatenate([
        first + step * np.arange(n, dtype=np.float32)
        for (n, first, step) in _NP_SPECS
    ]).reshape(total_steps, 1, _ROWS_PER_STEP)
    vals = jnp.asarray(vals, dtype=dtype)

    freq = jnp.arange(HALF, dtype=dtype)
    invf = (1.0 / (10000.0 ** (freq / HALF)))[None, :]

    out_shapes = [jax.ShapeDtypeStruct((n, D_MODEL), dtype) for (n, _, _) in _NP_SPECS]

    def out_map(k):
        lo, nb = starts[k], nblocks[k]
        return lambda i: (jnp.clip(i - lo, 0, nb - 1), 0)

    return pl.pallas_call(
        functools.partial(_pe_body, starts=tuple(starts)),
        grid=(total_steps,),
        in_specs=[
            pl.BlockSpec((1, 1, _ROWS_PER_STEP), lambda i: (i, 0, 0)),
            pl.BlockSpec((1, HALF), lambda i: (0, 0)),
        ],
        out_specs=[
            pl.BlockSpec((_ROWS_PER_STEP, D_MODEL), out_map(k))
            for k in range(len(_NP_SPECS))
        ],
        out_shape=out_shapes,
    )(vals, invf)



_NC, _NS = 2, 16
_NW = _NC * _NS
_NPW = [n // _NW for n in _POOL_N]
_CHUNK = 56


def _pool_chunks(total):
    out = []
    co = 0
    while co < total:
        cs = min(_CHUNK, total - co)
        out.append((co, cs))
        co += cs
    return out


_SEG = [0]
for _n in _NPW:
    _SEG.append(_SEG[-1] + _n)
_TSEG = _SEG[-1]
_IDX_LEN = _TSEG + 24

_TAIL_IDX = [
    [21 + i for i in range(8)],
    [14 + 2 * i for i in range(8)],
    [4 * i for i in range(8)],
]

_IDX_ALL = np.concatenate(
    [np.arange(1, n + 1) for n in _POOL_N] + [np.asarray(sum(_TAIL_IDX, []))]
).astype(np.int32)
_IDX_BASE = [0]
for _n in _POOL_N:
    _IDX_BASE.append(_IDX_BASE[-1] + _n)


def _sc_body(src0, src1, src2, tail_ref, idx_ref, *rest):
    srcs = (src0, src1, src2)
    outs = rest[:3]
    idx_v, b0, b1, g0, g1, s0, s1 = rest[3:]
    bufs, gsems, ssems = [b0, b1], [g0, g1], [s0, s1]
    wid = lax.axis_index("s") * _NC + lax.axis_index("c")
    last = wid == _NW - 1

    for k in range(3):
        npw = _NPW[k]
        pltpu.sync_copy(
            idx_ref.at[pl.ds(_IDX_BASE[k] + wid * npw, npw)],
            idx_v.at[pl.ds(_SEG[k], npw)],
        )
    pltpu.sync_copy(idx_ref.at[pl.ds(_IDX_BASE[-1], 24)],
                    idx_v.at[pl.ds(_TSEG, 24)])

    sched = []
    for k in range(3):
        npw = _NPW[k]
        woff = wid * npw
        for (co, cs) in _pool_chunks(npw - 8):
            sched.append((k, co, woff + co, cs))
    n = len(sched)

    def gstart(c):
        k, lo, _, cs = sched[c]
        return pltpu.async_copy(
            srcs[k].at[idx_v.at[pl.ds(_SEG[k] + lo, cs)]],
            bufs[c % 2].at[pl.ds(0, cs)],
            gsems[c % 2])

    def sstart(c):
        k, _, do, cs = sched[c]
        return pltpu.async_copy(
            bufs[c % 2].at[pl.ds(0, cs)], outs[k].at[pl.ds(do, cs)],
            ssems[c % 2])

    gd = [None] * n
    sd = [None] * n
    gd[0] = gstart(0)
    for c in range(n):
        gd[c].wait()
        if c + 1 < n:
            if c >= 1:
                sd[c - 1].wait()
            gd[c + 1] = gstart(c + 1)
        sd[c] = sstart(c)
    if n >= 2:
        sd[n - 2].wait()
    sd[n - 1].wait()

    @pl.when(jnp.logical_not(last))
    def _():
        for k in range(3):
            npw = _NPW[k]
            pltpu.async_copy(
                srcs[k].at[idx_v.at[pl.ds(_SEG[k] + npw - 8, 8)]],
                bufs[0].at[pl.ds(0, 8)], gsems[0]).wait()
            pltpu.sync_copy(bufs[0].at[pl.ds(0, 8)],
                            outs[k].at[pl.ds(wid * npw + npw - 8, 8)])

    @pl.when(last)
    def _():
        for k in range(3):
            pltpu.async_copy(
                tail_ref.at[idx_v.at[pl.ds(_TSEG + 8 * k, 8)]],
                bufs[0].at[pl.ds(0, 8)], gsems[0]).wait()
            pltpu.sync_copy(bufs[0].at[pl.ds(0, 8)],
                            outs[k].at[pl.ds(_POOL_N[k] - 8, 8)])


def _sc_pools(np0, np1, np2, tail, dtype):
    mesh = plsc.VectorSubcoreMesh(
        core_axis_name="c", subcore_axis_name="s",
        num_cores=_NC, num_subcores=_NS)
    out_type = [jax.ShapeDtypeStruct((n, D_MODEL), dtype) for n in _POOL_N]
    return pl.kernel(
        _sc_body,
        out_type,
        mesh=mesh,
        scratch_types=[
            pltpu.VMEM((_IDX_LEN,), jnp.int32),
            pltpu.VMEM((_CHUNK, D_MODEL), jnp.float32),
            pltpu.VMEM((_CHUNK, D_MODEL), jnp.float32),
            pltpu.SemaphoreType.DMA,
            pltpu.SemaphoreType.DMA,
            pltpu.SemaphoreType.DMA,
            pltpu.SemaphoreType.DMA,
        ],
    )(np0, np1, np2, tail, jnp.asarray(_IDX_ALL))



_TT_ROWS = 512


def _tt_body(row_ref, full_ref, ttm_ref, cls_ref):
    j = pl.program_id(0)
    b = pl.program_id(1)
    shape = (_TT_ROWS, SEQ_LEN)
    rows = jnp.broadcast_to(row_ref[0, 0, :][:, None], shape)
    cols = jnp.broadcast_to(full_ref[0, 0, :][None, :], shape)
    ttm_ref[0] = (rows == cols) | (rows == 2) | (cols == 2)

    @pl.when(b == 0)
    def _():
        ri = jax.lax.broadcasted_iota(jnp.int32, shape, 0)
        ci = jax.lax.broadcasted_iota(jnp.int32, shape, 1)
        cls_ref[...] = (((ri + j * _TT_ROWS) > 0) & (ci > 0)).astype(cls_ref.dtype)


def _build_ttm(token_type_ids, dtype):
    batch = token_type_ids.shape[0]
    ids3 = token_type_ids.reshape(batch, 1, SEQ_LEN)
    nj = SEQ_LEN // _TT_ROWS
    return pl.pallas_call(
        _tt_body,
        grid=(nj, batch),
        in_specs=[
            pl.BlockSpec((1, 1, _TT_ROWS), lambda j, b: (b, 0, j)),
            pl.BlockSpec((1, 1, SEQ_LEN), lambda j, b: (b, 0, 0)),
        ],
        out_specs=[
            pl.BlockSpec((1, _TT_ROWS, SEQ_LEN), lambda j, b: (b, j, 0)),
            pl.BlockSpec((_TT_ROWS, SEQ_LEN), lambda j, b: (j, 0)),
        ],
        out_shape=[
            jax.ShapeDtypeStruct((batch, SEQ_LEN, SEQ_LEN), jnp.bool_),
            jax.ShapeDtypeStruct((SEQ_LEN, SEQ_LEN), dtype),
        ],
    )(ids3, ids3)


def kernel(inputs_embeds, attention_mask, token_type_ids):
    dtype = inputs_embeds.dtype
    np0, np1, np2, np3, tail = _build_nps(dtype)
    ttm, cls_mask = _build_ttm(token_type_ids, dtype)
    pool1, pool2, pool3 = _sc_pools(np0, np1, np2, tail, dtype)
    return (np0, np1, pool1, np2, pool2, np3, pool3, ttm, attention_mask, cls_mask)

# --- scband reference (transcript-rebuilt; emitter-appended) ---
"""Pipeline reference for scband-funnel-attention-structure-14302241096296 (READ-ONLY COPY).

The authoritative reference and input builder live on the scoring server;
editing this copy changes nothing except your own understanding.
"""

import jax, jax.numpy as jnp
import numpy as np

D_MODEL = 1024
NUM_BLOCKS = 4
SEPARATE_CLS = True
TRUNCATE_SEQ = True
CLS_TOKEN_TYPE_ID = 2


def _stride_pool_pos(pos, block_index):
    if SEPARATE_CLS:
        cls_pos = np.array([-(2 ** block_index) + 1], dtype=pos.dtype)
        pooled = pos[1:-1] if TRUNCATE_SEQ else pos[1:]
        return np.concatenate([cls_pos, pooled[::2]], 0)
    return pos[::2]


def _relative_pos(pos, stride, pooled_pos=None, shift=1):
    if pooled_pos is None:
        pooled_pos = pos
    ref_point = pooled_pos[0] - pos[0]
    num_remove = shift * len(pooled_pos)
    max_dist = ref_point + num_remove * stride
    min_dist = pooled_pos[0] - pos[-1]
    return np.arange(max_dist, min_dist - 1, -stride, dtype=np.int64)


def _get_position_embeds(seq_len, dtype):
    # relative_shift attention path: build sinusoid table then gather rows per block
    freq_seq = jnp.arange(D_MODEL // 2, dtype=dtype)
    inv_freq = 1.0 / (10000.0 ** (freq_seq / (D_MODEL // 2)))
    rel_pos_id = jnp.arange(-seq_len * 2, seq_len * 2, dtype=dtype)
    zero_offset = seq_len * 2
    sinusoid = rel_pos_id[:, None] * inv_freq[None]
    # hidden_dropout = 0.0 -> dropout is identity
    pos_embed = jnp.concatenate([jnp.sin(sinusoid), jnp.cos(sinusoid)], axis=-1)
    pos = np.arange(seq_len, dtype=np.int64)
    pooled_pos = pos
    outs = []
    for block_index in range(NUM_BLOCKS):
        if block_index == 0:
            pos_emb_pooling = None
        else:
            pooled_pos = _stride_pool_pos(pos, block_index)
            stride = 2 ** (block_index - 1)
            rel_pos = _relative_pos(pos, stride, pooled_pos, shift=2) + zero_offset
            pos_emb_pooling = jnp.take(pos_embed, jnp.asarray(rel_pos), axis=0)
        pos = pooled_pos
        stride = 2 ** block_index
        rel_pos = _relative_pos(pos, stride) + zero_offset
        pos_emb_no_pooling = jnp.take(pos_embed, jnp.asarray(rel_pos), axis=0)
        outs.append(pos_emb_no_pooling)
        if pos_emb_pooling is not None:
            outs.append(pos_emb_pooling)
    return outs


def setup_inputs(seed: int = 0):
    key = jax.random.key(seed)
    k1, k2 = jax.random.split(key)
    inputs_embeds = jax.random.normal(k1, (4, 2048, D_MODEL), dtype=jnp.float32)
    attention_mask = jnp.ones((4, 2048), dtype=jnp.float32)
    token_type_ids = jax.random.randint(k2, (4, 2048), 0, 3)
    return {"inputs_embeds": inputs_embeds, "attention_mask": attention_mask, "token_type_ids": token_type_ids}


def reference(inputs_embeds, attention_mask, token_type_ids):
    seq_len = inputs_embeds.shape[1]
    pes = _get_position_embeds(seq_len, inputs_embeds.dtype)
    # token_type_ids_to_mat
    ttm = token_type_ids[:, :, None] == token_type_ids[:, None]
    cls_ids = token_type_ids == CLS_TOKEN_TYPE_ID
    cls_mat = cls_ids[:, :, None] | cls_ids[:, None]
    token_type_mat = cls_mat | ttm
    # cls_mask (separate_cls=True)
    cls_mask = jnp.pad(jnp.ones((seq_len - 1, seq_len - 1), dtype=inputs_embeds.dtype), ((1, 0), (1, 0)))
    return (*pes, token_type_mat, attention_mask, cls_mask)

if __name__ == "__main__":
    import jax
    _d = setup_inputs()
    print(jax.jit(kernel)(*tuple(_d.values())))

</pallas_src>

<mosaic_0001>
#map = affine_map<(d0, d1) -> (0, 0)>
#map1 = affine_map<(d0, d1) -> (0)>
module attributes {stable_mosaic.version = 14 : i64} {
  func.func @_sc_body(%arg0: i32, %arg1: i32, %arg2: memref<4096x1024xf32, #tpu.memory_space<hbm>>, %arg3: memref<2048x1024xf32, #tpu.memory_space<hbm>>, %arg4: memref<1024x1024xf32, #tpu.memory_space<hbm>>, %arg5: memref<512x1024xf32, #tpu.memory_space<hbm>>, %arg6: memref<7192xi32, #tpu.memory_space<hbm>>, %arg7: memref<4096x1024xf32, #tpu.memory_space<hbm>>, %arg8: memref<2048x1024xf32, #tpu.memory_space<hbm>>, %arg9: memref<1024x1024xf32, #tpu.memory_space<hbm>>, %arg10: memref<248xi32, #tpu.memory_space<vmem>>, %arg11: memref<56x1024xf32, #tpu.memory_space<vmem>>, %arg12: memref<56x1024xf32, #tpu.memory_space<vmem>>, %arg13: memref<!tpu.dma_semaphore, #tpu.memory_space<semaphore_mem>>, %arg14: memref<!tpu.dma_semaphore, #tpu.memory_space<semaphore_mem>>, %arg15: memref<!tpu.dma_semaphore, #tpu.memory_space<semaphore_mem>>, %arg16: memref<!tpu.dma_semaphore, #tpu.memory_space<semaphore_mem>>) attributes {dimension_semantics = [#tpu.dimension_semantics<core_parallel>, #tpu.dimension_semantics<subcore_parallel>], iteration_bounds = array<i64: 2, 16>, scalar_prefetch = 0 : i64, scratch_operands = 7 : i64, tpu.core_type = #tpu.core_type<sc_vector_subcore>, window_params = [{transform_indices = #map}, {transform_indices = #map}, {transform_indices = #map}, {transform_indices = #map}, {transform_indices = #map1}, {transform_indices = #map}, {transform_indices = #map}, {transform_indices = #map}]} {
    %mul3A = arith.constant 2 : i32
    %mul3A_0 = arith.muli %arg1, %mul3A : i32
    %add3A = arith.addi %mul3A_0, %arg0 : i32
    %eq3A = arith.constant 31 : i32
    %eq3A_1 = arith.cmpi eq, %add3A, %eq3A : i32
    %mul3A_2 = arith.constant 128 : i32
    %mul3A_3 = arith.muli %add3A, %mul3A_2 : i32
    %add3A_4 = arith.constant 0 : i32
    %add3A_5 = arith.addi %add3A_4, %mul3A_3 : i32
    "tpu.region"() ({
      %run_scoped3A = tpu.sem_alloc : memref<!tpu.dma_semaphore, #tpu.memory_space<semaphore_mem>>
      %dma_start3A_213 = arith.constant 0 : i32
      %dma_start3A_214 = tpu.memref_slice %arg10[%dma_start3A_213] : memref<248xi32, #tpu.memory_space<vmem>> -> memref<128xi32, #tpu.memory_space<vmem>>
      %dma_start3A_215 = tpu.memref_slice %arg6[%add3A_5] : memref<7192xi32, #tpu.memory_space<hbm>> -> memref<128xi32, #tpu.memory_space<hbm>>
      %dma_start3A_216 = arith.constant 0 : i32
      %dma_start3A_217 = tpu.memref_slice %arg10[%dma_start3A_216] : memref<248xi32, #tpu.memory_space<vmem>> -> memref<128xi32, #tpu.memory_space<vmem>>
      %dma_start3A_218 = tpu.memref_slice %arg6[%add3A_5] : memref<7192xi32, #tpu.memory_space<hbm>> -> memref<128xi32, #tpu.memory_space<hbm>>
      tpu.enqueue_dma source(%dma_start3A_218 : memref<128xi32, #tpu.memory_space<hbm>>) target(%dma_start3A_217 : memref<128xi32, #tpu.memory_space<vmem>>) target_semaphore(%run_scoped3A : memref<!tpu.dma_semaphore, #tpu.memory_space<semaphore_mem>>)
      %dma_wait3A_219 = arith.constant 0 : i32
      %dma_wait3A_220 = tpu.memref_slice %arg10[%dma_wait3A_219] : memref<248xi32, #tpu.memory_space<vmem>> -> memref<128xi32, #tpu.memory_space<vmem>>
      %dma_wait3A_221 = tpu.memref_slice %arg6[%add3A_5] : memref<7192xi32, #tpu.memory_space<hbm>> -> memref<128xi32, #tpu.memory_space<hbm>>
      %dma_wait3A_222 = arith.constant 0 : i32
      %dma_wait3A_223 = tpu.memref_slice %arg10[%dma_wait3A_222] : memref<248xi32, #tpu.memory_space<vmem>> -> memref<128xi32, #tpu.memory_space<vmem>>
      %dma_wait3A_224 = tpu.memref_slice %arg6[%add3A_5] : memref<7192xi32, #tpu.memory_space<hbm>> -> memref<128xi32, #tpu.memory_space<hbm>>
      tpu.wait_dma2 semaphore(%run_scoped3A : memref<!tpu.dma_semaphore, #tpu.memory_space<semaphore_mem>>) src(%dma_wait3A_224 : memref<128xi32, #tpu.memory_space<hbm>>) dst(%dma_wait3A_223 : memref<128xi32, #tpu.memory_space<vmem>>)
      tpu.yield
    }) : () -> ()
    %mul3A_6 = arith.constant 64 : i32
    %mul3A_7 = arith.muli %add3A, %mul3A_6 : i32
    %add3A_8 = arith.constant 4096 : i32
    %add3A_9 = arith.addi %add3A_8, %mul3A_7 : i32
    "tpu.region"() ({
      %run_scoped3A = tpu.sem_alloc : memref<!tpu.dma_semaphore, #tpu.memory_space<semaphore_mem>>
      %dma_start3A_213 = arith.constant 128 : i32
      %dma_start3A_214 = tpu.memref_slice %arg10[%dma_start3A_213] : memref<248xi32, #tpu.memory_space<vmem>> -> memref<64xi32, #tpu.memory_space<vmem>>
      %dma_start3A_215 = tpu.memref_slice %arg6[%add3A_9] : memref<7192xi32, #tpu.memory_space<hbm>> -> memref<64xi32, #tpu.memory_space<hbm>>
      %dma_start3A_216 = arith.constant 128 : i32
      %dma_start3A_217 = tpu.memref_slice %arg10[%dma_start3A_216] : memref<248xi32, #tpu.memory_space<vmem>> -> memref<64xi32, #tpu.memory_space<vmem>>
      %dma_start3A_218 = tpu.memref_slice %arg6[%add3A_9] : memref<7192xi32, #tpu.memory_space<hbm>> -> memref<64xi32, #tpu.memory_space<hbm>>
      tpu.enqueue_dma source(%dma_start3A_218 : memref<64xi32, #tpu.memory_space<hbm>>) target(%dma_start3A_217 : memref<64xi32, #tpu.memory_space<vmem>>) target_semaphore(%run_scoped3A : memref<!tpu.dma_semaphore, #tpu.memory_space<semaphore_mem>>)
      %dma_wait3A_219 = arith.constant 128 : i32
      %dma_wait3A_220 = tpu.memref_slice %arg10[%dma_wait3A_219] : memref<248xi32, #tpu.memory_space<vmem>> -> memref<64xi32, #tpu.memory_space<vmem>>
      %dma_wait3A_221 = tpu.memref_slice %arg6[%add3A_9] : memref<7192xi32, #tpu.memory_space<hbm>> -> memref<64xi32, #tpu.memory_space<hbm>>
      %dma_wait3A_222 = arith.constant 128 : i32
      %dma_wait3A_223 = tpu.memref_slice %arg10[%dma_wait3A_222] : memref<248xi32, #tpu.memory_space<vmem>> -> memref<64xi32, #tpu.memory_space<vmem>>
      %dma_wait3A_224 = tpu.memref_slice %arg6[%add3A_9] : memref<7192xi32, #tpu.memory_space<hbm>> -> memref<64xi32, #tpu.memory_space<hbm>>
      tpu.wait_dma2 semaphore(%run_scoped3A : memref<!tpu.dma_semaphore, #tpu.memory_space<semaphore_mem>>) src(%dma_wait3A_224 : memref<64xi32, #tpu.memory_space<hbm>>) dst(%dma_wait3A_223 : memref<64xi32, #tpu.memory_space<vmem>>)
      tpu.yield
    }) : () -> ()
    %mul3A_10 = arith.constant 32 : i32
    %mul3A_11 = arith.muli %add3A, %mul3A_10 : i32
    %add3A_12 = arith.constant 6144 : i32
    %add3A_13 = arith.addi %add3A_12, %mul3A_11 : i32
    "tpu.region"() ({
      %run_scoped3A = tpu.sem_alloc : memref<!tpu.dma_semaphore, #tpu.memory_space<semaphore_mem>>
      %dma_start3A_213 = arith.constant 192 : i32
      %dma_start3A_214 = tpu.memref_slice %arg10[%dma_start3A_213] : memref<248xi32, #tpu.memory_space<vmem>> -> memref<32xi32, #tpu.memory_space<vmem>>
      %dma_start3A_215 = tpu.memref_slice %arg6[%add3A_13] : memref<7192xi32, #tpu.memory_space<hbm>> -> memref<32xi32, #tpu.memory_space<hbm>>
      %dma_start3A_216 = arith.constant 192 : i32
      %dma_start3A_217 = tpu.memref_slice %arg10[%dma_start3A_216] : memref<248xi32, #tpu.memory_space<vmem>> -> memref<32xi32, #tpu.memory_space<vmem>>
      %dma_start3A_218 = tpu.memref_slice %arg6[%add3A_13] : memref<7192xi32, #tpu.memory_space<hbm>> -> memref<32xi32, #tpu.memory_space<hbm>>
      tpu.enqueue_dma source(%dma_start3A_218 : memref<32xi32, #tpu.memory_space<hbm>>) target(%dma_start3A_217 : memref<32xi32, #tpu.memory_space<vmem>>) target_semaphore(%run_scoped3A : memref<!tpu.dma_semaphore, #tpu.memory_space<semaphore_mem>>)
      %dma_wait3A_219 = arith.constant 192 : i32
      %dma_wait3A_220 = tpu.memref_slice %arg10[%dma_wait3A_219] : memref<248xi32, #tpu.memory_space<vmem>> -> memref<32xi32, #tpu.memory_space<vmem>>
      %dma_wait3A_221 = tpu.memref_slice %arg6[%add3A_13] : memref<7192xi32, #tpu.memory_space<hbm>> -> memref<32xi32, #tpu.memory_space<hbm>>
      %dma_wait3A_222 = arith.constant 192 : i32
      %dma_wait3A_223 = tpu.memref_slice %arg10[%dma_wait3A_222] : memref<248xi32, #tpu.memory_space<vmem>> -> memref<32xi32, #tpu.memory_space<vmem>>
      %dma_wait3A_224 = tpu.memref_slice %arg6[%add3A_13] : memref<7192xi32, #tpu.memory_space<hbm>> -> memref<32xi32, #tpu.memory_space<hbm>>
      tpu.wait_dma2 semaphore(%run_scoped3A : memref<!tpu.dma_semaphore, #tpu.memory_space<semaphore_mem>>) src(%dma_wait3A_224 : memref<32xi32, #tpu.memory_space<hbm>>) dst(%dma_wait3A_223 : memref<32xi32, #tpu.memory_space<vmem>>)
      tpu.yield
    }) : () -> ()
    "tpu.region"() ({
      %run_scoped3A = tpu.sem_alloc : memref<!tpu.dma_semaphore, #tpu.memory_space<semaphore_mem>>
      %dma_start3A_213 = arith.constant 224 : i32
      %dma_start3A_214 = tpu.memref_slice %arg10[%dma_start3A_213] : memref<248xi32, #tpu.memory_space<vmem>> -> memref<24xi32, #tpu.memory_space<vmem>>
      %dma_start3A_215 = arith.constant 7168 : i32
      %dma_start3A_216 = tpu.memref_slice %arg6[%dma_start3A_215] : memref<7192xi32, #tpu.memory_space<hbm>> -> memref<24xi32, #tpu.memory_space<hbm>>
      %dma_start3A_217 = arith.constant 224 : i32
      %dma_start3A_218 = tpu.memref_slice %arg10[%dma_start3A_217] : memref<248xi32, #tpu.memory_space<vmem>> -> memref<24xi32, #tpu.memory_space<vmem>>
      %dma_start3A_219 = arith.constant 7168 : i32
      %dma_start3A_220 = tpu.memref_slice %arg6[%dma_start3A_219] : memref<7192xi32, #tpu.memory_space<hbm>> -> memref<24xi32, #tpu.memory_space<hbm>>
      tpu.enqueue_dma source(%dma_start3A_220 : memref<24xi32, #tpu.memory_space<hbm>>) target(%dma_start3A_218 : memref<24xi32, #tpu.memory_space<vmem>>) target_semaphore(%run_scoped3A : memref<!tpu.dma_semaphore, #tpu.memory_space<semaphore_mem>>)
      %dma_wait3A_221 = arith.constant 224 : i32
      %dma_wait3A_222 = tpu.memref_slice %arg10[%dma_wait3A_221] : memref<248xi32, #tpu.memory_space<vmem>> -> memref<24xi32, #tpu.memory_space<vmem>>
      %dma_wait3A_223 = arith.constant 7168 : i32
      %dma_wait3A_224 = tpu.memref_slice %arg6[%dma_wait3A_223] : memref<7192xi32, #tpu.memory_space<hbm>> -> memref<24xi32, #tpu.memory_space<hbm>>
      %dma_wait3A_225 = arith.constant 224 : i32
      %dma_wait3A_226 = tpu.memref_slice %arg10[%dma_wait3A_225] : memref<248xi32, #tpu.memory_space<vmem>> -> memref<24xi32, #tpu.memory_space<vmem>>
      %dma_wait3A_227 = arith.constant 7168 : i32
      %dma_wait3A_228 = tpu.memref_slice %arg6[%dma_wait3A_227] : memref<7192xi32, #tpu.memory_space<hbm>> -> memref<24xi32, #tpu.memory_space<hbm>>
      tpu.wait_dma2 semaphore(%run_scoped3A : memref<!tpu.dma_semaphore, #tpu.memory_space<semaphore_mem>>) src(%dma_wait3A_228 : memref<24xi32, #tpu.memory_space<hbm>>) dst(%dma_wait3A_226 : memref<24xi32, #tpu.memory_space<vmem>>)
      tpu.yield
    }) : () -> ()
    %mul3A_14 = arith.constant 128 : i32
    %mul3A_15 = arith.muli %add3A, %mul3A_14 : i32
    %add3A_16 = arith.constant 0 : i32
    %add3A_17 = arith.addi %mul3A_15, %add3A_16 : i32
    %add3A_18 = arith.constant 56 : i32
    %add3A_19 = arith.addi %mul3A_15, %add3A_18 : i32
    %add3A_20 = arith.constant 112 : i32
    %add3A_21 = arith.addi %mul3A_15, %add3A_20 : i32
    %mul3A_22 = arith.constant 64 : i32
    %mul3A_23 = arith.muli %add3A, %mul3A_22 : i32
    %add3A_24 = arith.constant 0 : i32
    %add3A_25 = arith.addi %mul3A_23, %add3A_24 : i32
    %mul3A_26 = arith.constant 32 : i32
    %mul3A_27 = arith.muli %add3A, %mul3A_26 : i32
    %add3A_28 = arith.constant 0 : i32
    %add3A_29 = arith.addi %mul3A_27, %add3A_28 : i32
    %dma_start3A = arith.constant 0 : i32
    %dma_start3A_30 = arith.constant 0 : i32
    %dma_start3A_31 = tpu.memref_slice %arg11[%dma_start3A, %dma_start3A_30] : memref<56x1024xf32, #tpu.memory_space<vmem>> -> memref<56x1024xf32, #tpu.memory_space<vmem>>
    %dma_start3A_32 = arith.constant 0 : i32
    %dma_start3A_33 = tpu.memref_slice %arg10[%dma_start3A_32] : memref<248xi32, #tpu.memory_space<vmem>> -> memref<56xi32, #tpu.memory_space<vmem>>
    %dma_start3A_34 = arith.constant 0 : i32
    %dma_start3A_35 = arith.constant 0 : i32
    %dma_start3A_36 = tpu.memref_slice %arg2[%dma_start3A_34, %dma_start3A_35] : memref<4096x1024xf32, #tpu.memory_space<hbm>> -> memref<4096x1024xf32, #tpu.memory_space<hbm>>
    tpu.enqueue_indirect_dma source(%dma_start3A_36 : memref<4096x1024xf32, #tpu.memory_space<hbm>>) target(%dma_start3A_31 : memref<56x1024xf32, #tpu.memory_space<vmem>>) offsets(%dma_start3A_33 : memref<56xi32, #tpu.memory_space<vmem>>) semaphore(%arg13 : memref<!tpu.dma_semaphore, #tpu.memory_space<semaphore_mem>>)
    %dma_wait3A = arith.constant 0 : i32
    %dma_wait3A_37 = arith.constant 0 : i32
    %dma_wait3A_38 = tpu.memref_slice %arg11[%dma_wait3A, %dma_wait3A_37] : memref<56x1024xf32, #tpu.memory_space<vmem>> -> memref<56x1024xf32, #tpu.memory_space<vmem>>
    %dma_wait3A_39 = arith.constant 0 : i32
    %dma_wait3A_40 = tpu.memref_slice %arg10[%dma_wait3A_39] : memref<248xi32, #tpu.memory_space<vmem>> -> memref<56xi32, #tpu.memory_space<vmem>>
    %dma_wait3A_41 = arith.constant 0 : i32
    %dma_wait3A_42 = arith.constant 0 : i32
    %dma_wait3A_43 = tpu.memref_slice %arg2[%dma_wait3A_41, %dma_wait3A_42] : memref<4096x1024xf32, #tpu.memory_space<hbm>> -> memref<4096x1024xf32, #tpu.memory_space<hbm>>
    tpu.wait_indirect_dma semaphore(%arg13 : memref<!tpu.dma_semaphore, #tpu.memory_space<semaphore_mem>>) src(%dma_wait3A_43 : memref<4096x1024xf32, #tpu.memory_space<hbm>>) dst(%dma_wait3A_38 : memref<56x1024xf32, #tpu.memory_space<vmem>>)
    %dma_start3A_44 = arith.constant 0 : i32
    %dma_start3A_45 = arith.constant 0 : i32
    %dma_start3A_46 = tpu.memref_slice %arg12[%dma_start3A_44, %dma_start3A_45] : memref<56x1024xf32, #tpu.memory_space<vmem>> -> memref<56x1024xf32, #tpu.memory_space<vmem>>
    %dma_start3A_47 = arith.constant 56 : i32
    %dma_start3A_48 = tpu.memref_slice %arg10[%dma_start3A_47] : memref<248xi32, #tpu.memory_space<vmem>> -> memref<56xi32, #tpu.memory_space<vmem>>
    %dma_start3A_49 = arith.constant 0 : i32
    %dma_start3A_50 = arith.constant 0 : i32
    %dma_start3A_51 = tpu.memref_slice %arg2[%dma_start3A_49, %dma_start3A_50] : memref<4096x1024xf32, #tpu.memory_space<hbm>> -> memref<4096x1024xf32, #tpu.memory_space<hbm>>
    tpu.enqueue_indirect_dma source(%dma_start3A_51 : memref<4096x1024xf32, #tpu.memory_space<hbm>>) target(%dma_start3A_46 : memref<56x1024xf32, #tpu.memory_space<vmem>>) offsets(%dma_start3A_48 : memref<56xi32, #tpu.memory_space<vmem>>) semaphore(%arg14 : memref<!tpu.dma_semaphore, #tpu.memory_space<semaphore_mem>>)
    %dma_start3A_52 = arith.constant 0 : i32
    %dma_start3A_53 = arith.constant 0 : i32
    %dma_start3A_54 = tpu.memref_slice %arg11[%dma_start3A_52, %dma_start3A_53] : memref<56x1024xf32, #tpu.memory_space<vmem>> -> memref<56x1024xf32, #tpu.memory_space<vmem>>
    %dma_start3A_55 = arith.constant 0 : i32
    %dma_start3A_56 = tpu.memref_slice %arg7[%add3A_17, %dma_start3A_55] : memref<4096x1024xf32, #tpu.memory_space<hbm>> -> memref<56x1024xf32, #tpu.memory_space<hbm>>
    %dma_start3A_57 = arith.constant 0 : i32
    %dma_start3A_58 = tpu.memref_slice %arg7[%add3A_17, %dma_start3A_57] : memref<4096x1024xf32, #tpu.memory_space<hbm>> -> memref<56x1024xf32, #tpu.memory_space<hbm>>
    %dma_start3A_59 = arith.constant 0 : i32
    %dma_start3A_60 = arith.constant 0 : i32
    %dma_start3A_61 = tpu.memref_slice %arg11[%dma_start3A_59, %dma_start3A_60] : memref<56x1024xf32, #tpu.memory_space<vmem>> -> memref<56x1024xf32, #tpu.memory_space<vmem>>
    tpu.enqueue_dma source(%dma_start3A_61 : memref<56x1024xf32, #tpu.memory_space<vmem>>) target(%dma_start3A_58 : memref<56x1024xf32, #tpu.memory_space<hbm>>) target_semaphore(%arg15 : memref<!tpu.dma_semaphore, #tpu.memory_space<semaphore_mem>>)
    %dma_wait3A_62 = arith.constant 0 : i32
    %dma_wait3A_63 = arith.constant 0 : i32
    %dma_wait3A_64 = tpu.memref_slice %arg12[%dma_wait3A_62, %dma_wait3A_63] : memref<56x1024xf32, #tpu.memory_space<vmem>> -> memref<56x1024xf32, #tpu.memory_space<vmem>>
    %dma_wait3A_65 = arith.constant 56 : i32
    %dma_wait3A_66 = tpu.memref_slice %arg10[%dma_wait3A_65] : memref<248xi32, #tpu.memory_space<vmem>> -> memref<56xi32, #tpu.memory_space<vmem>>
    %dma_wait3A_67 = arith.constant 0 : i32
    %dma_wait3A_68 = arith.constant 0 : i32
    %dma_wait3A_69 = tpu.memref_slice %arg2[%dma_wait3A_67, %dma_wait3A_68] : memref<4096x1024xf32, #tpu.memory_space<hbm>> -> memref<4096x1024xf32, #tpu.memory_space<hbm>>
    tpu.wait_indirect_dma semaphore(%arg14 : memref<!tpu.dma_semaphore, #tpu.memory_space<semaphore_mem>>) src(%dma_wait3A_69 : memref<4096x1024xf32, #tpu.memory_space<hbm>>) dst(%dma_wait3A_64 : memref<56x1024xf32, #tpu.memory_space<vmem>>)
    %dma_wait3A_70 = arith.constant 0 : i32
    %dma_wait3A_71 = arith.constant 0 : i32
    %dma_wait3A_72 = tpu.memref_slice %arg11[%dma_wait3A_70, %dma_wait3A_71] : memref<56x1024xf32, #tpu.memory_space<vmem>> -> memref<56x1024xf32, #tpu.memory_space<vmem>>
    %dma_wait3A_73 = arith.constant 0 : i32
    %dma_wait3A_74 = tpu.memref_slice %arg7[%add3A_17, %dma_wait3A_73] : memref<4096x1024xf32, #tpu.memory_space<hbm>> -> memref<56x1024xf32, #tpu.memory_space<hbm>>
    %dma_wait3A_75 = arith.constant 0 : i32
    %dma_wait3A_76 = tpu.memref_slice %arg7[%add3A_17, %dma_wait3A_75] : memref<4096x1024xf32, #tpu.memory_space<hbm>> -> memref<56x1024xf32, #tpu.memory_space<hbm>>
    %dma_wait3A_77 = arith.constant 0 : i32
    %dma_wait3A_78 = arith.constant 0 : i32
    %dma_wait3A_79 = tpu.memref_slice %arg11[%dma_wait3A_77, %dma_wait3A_78] : memref<56x1024xf32, #tpu.memory_space<vmem>> -> memref<56x1024xf32, #tpu.memory_space<vmem>>
    tpu.wait_dma2 semaphore(%arg15 : memref<!tpu.dma_semaphore, #tpu.memory_space<semaphore_mem>>) src(%dma_wait3A_79 : memref<56x1024xf32, #tpu.memory_space<vmem>>) dst(%dma_wait3A_76 : memref<56x1024xf32, #tpu.memory_space<hbm>>)
    %dma_start3A_80 = arith.constant 0 : i32
    %dma_start3A_81 = arith.constant 0 : i32
    %dma_start3A_82 = tpu.memref_slice %arg11[%dma_start3A_80, %dma_start3A_81] : memref<56x1024xf32, #tpu.memory_space<vmem>> -> memref<8x1024xf32, #tpu.memory_space<vmem>>
    %dma_start3A_83 = arith.constant 112 : i32
    %dma_start3A_84 = tpu.memref_slice %arg10[%dma_start3A_83] : memref<248xi32, #tpu.memory_space<vmem>> -> memref<8xi32, #tpu.memory_space<vmem>>
    %dma_start3A_85 = arith.constant 0 : i32
    %dma_start3A_86 = arith.constant 0 : i32
    %dma_start3A_87 = tpu.memref_slice %arg2[%dma_start3A_85, %dma_start3A_86] : memref<4096x1024xf32, #tpu.memory_space<hbm>> -> memref<4096x1024xf32, #tpu.memory_space<hbm>>
    tpu.enqueue_indirect_dma source(%dma_start3A_87 : memref<4096x1024xf32, #tpu.memory_space<hbm>>) target(%dma_start3A_82 : memref<8x1024xf32, #tpu.memory_space<vmem>>) offsets(%dma_start3A_84 : memref<8xi32, #tpu.memory_space<vmem>>) semaphore(%arg13 : memref<!tpu.dma_semaphore, #tpu.memory_space<semaphore_mem>>)
    %dma_start3A_88 = arith.constant 0 : i32
    %dma_start3A_89 = arith.constant 0 : i32
    %dma_start3A_90 = tpu.memref_slice %arg12[%dma_start3A_88, %dma_start3A_89] : memref<56x1024xf32, #tpu.memory_space<vmem>> -> memref<56x1024xf32, #tpu.memory_space<vmem>>
    %dma_start3A_91 = arith.constant 0 : i32
    %dma_start3A_92 = tpu.memref_slice %arg7[%add3A_19, %dma_start3A_91] : memref<4096x1024xf32, #tpu.memory_space<hbm>> -> memref<56x1024xf32, #tpu.memory_space<hbm>>
    %dma_start3A_93 = arith.constant 0 : i32
    %dma_start3A_94 = tpu.memref_slice %arg7[%add3A_19, %dma_start3A_93] : memref<4096x1024xf32, #tpu.memory_space<hbm>> -> memref<56x1024xf32, #tpu.memory_space<hbm>>
    %dma_start3A_95 = arith.constant 0 : i32
    %dma_start3A_96 = arith.constant 0 : i32
    %dma_start3A_97 = tpu.memref_slice %arg12[%dma_start3A_95, %dma_start3A_96] : memref<56x1024xf32, #tpu.memory_space<vmem>> -> memref<56x1024xf32, #tpu.memory_space<vmem>>
    tpu.enqueue_dma source(%dma_start3A_97 : memref<56x1024xf32, #tpu.memory_space<vmem>>) target(%dma_start3A_94 : memref<56x1024xf32, #tpu.memory_space<hbm>>) target_semaphore(%arg16 : memref<!tpu.dma_semaphore, #tpu.memory_space<semaphore_mem>>)
    %dma_wait3A_98 = arith.constant 0 : i32
    %dma_wait3A_99 = arith.constant 0 : i32
    %dma_wait3A_100 = tpu.memref_slice %arg11[%dma_wait3A_98, %dma_wait3A_99] : memref<56x1024xf32, #tpu.memory_space<vmem>> -> memref<8x1024xf32, #tpu.memory_space<vmem>>
    %dma_wait3A_101 = arith.constant 112 : i32
    %dma_wait3A_102 = tpu.memref_slice %arg10[%dma_wait3A_101] : memref<248xi32, #tpu.memory_space<vmem>> -> memref<8xi32, #tpu.memory_space<vmem>>
    %dma_wait3A_103 = arith.constant 0 : i32
    %dma_wait3A_104 = arith.constant 0 : i32
    %dma_wait3A_105 = tpu.memref_slice %arg2[%dma_wait3A_103, %dma_wait3A_104] : memref<4096x1024xf32, #tpu.memory_space<hbm>> -> memref<4096x1024xf32, #tpu.memory_space<hbm>>
    tpu.wait_indirect_dma semaphore(%arg13 : memref<!tpu.dma_semaphore, #tpu.memory_space<semaphore_mem>>) src(%dma_wait3A_105 : memref<4096x1024xf32, #tpu.memory_space<hbm>>) dst(%dma_wait3A_100 : memref<8x1024xf32, #tpu.memory_space<vmem>>)
    %dma_wait3A_106 = arith.constant 0 : i32
    %dma_wait3A_107 = arith.constant 0 : i32
    %dma_wait3A_108 = tpu.memref_slice %arg12[%dma_wait3A_106, %dma_wait3A_107] : memref<56x1024xf32, #tpu.memory_space<vmem>> -> memref<56x1024xf32, #tpu.memory_space<vmem>>
    %dma_wait3A_109 = arith.constant 0 : i32
    %dma_wait3A_110 = tpu.memref_slice %arg7[%add3A_19, %dma_wait3A_109] : memref<4096x1024xf32, #tpu.memory_space<hbm>> -> memref<56x1024xf32, #tpu.memory_space<hbm>>
    %dma_wait3A_111 = arith.constant 0 : i32
    %dma_wait3A_112 = tpu.memref_slice %arg7[%add3A_19, %dma_wait3A_111] : memref<4096x1024xf32, #tpu.memory_space<hbm>> -> memref<56x1024xf32, #tpu.memory_space<hbm>>
    %dma_wait3A_113 = arith.constant 0 : i32
    %dma_wait3A_114 = arith.constant 0 : i32
    %dma_wait3A_115 = tpu.memref_slice %arg12[%dma_wait3A_113, %dma_wait3A_114] : memref<56x1024xf32, #tpu.memory_space<vmem>> -> memref<56x1024xf32, #tpu.memory_space<vmem>>
    tpu.wait_dma2 semaphore(%arg16 : memref<!tpu.dma_semaphore, #tpu.memory_space<semaphore_mem>>) src(%dma_wait3A_115 : memref<56x1024xf32, #tpu.memory_space<vmem>>) dst(%dma_wait3A_112 : memref<56x1024xf32, #tpu.memory_space<hbm>>)
    %dma_start3A_116 = arith.constant 0 : i32
    %dma_start3A_117 = arith.constant 0 : i32
    %dma_start3A_118 = tpu.memref_slice %arg12[%dma_start3A_116, %dma_start3A_117] : memref<56x1024xf32, #tpu.memory_space<vmem>> -> memref<56x1024xf32, #tpu.memory_space<vmem>>
    %dma_start3A_119 = arith.constant 128 : i32
    %dma_start3A_120 = tpu.memref_slice %arg10[%dma_start3A_119] : memref<248xi32, #tpu.memory_space<vmem>> -> memref<56xi32, #tpu.memory_space<vmem>>
    %dma_start3A_121 = arith.constant 0 : i32
    %dma_start3A_122 = arith.constant 0 : i32
    %dma_start3A_123 = tpu.memref_slice %arg3[%dma_start3A_121, %dma_start3A_122] : memref<2048x1024xf32, #tpu.memory_space<hbm>> -> memref<2048x1024xf32, #tpu.memory_space<hbm>>
    tpu.enqueue_indirect_dma source(%dma_start3A_123 : memref<2048x1024xf32, #tpu.memory_space<hbm>>) target(%dma_start3A_118 : memref<56x1024xf32, #tpu.memory_space<vmem>>) offsets(%dma_start3A_120 : memref<56xi32, #tpu.memory_space<vmem>>) semaphore(%arg14 : memref<!tpu.dma_semaphore, #tpu.memory_space<semaphore_mem>>)
    %dma_start3A_124 = arith.constant 0 : i32
    %dma_start3A_125 = arith.constant 0 : i32
    %dma_start3A_126 = tpu.memref_slice %arg11[%dma_start3A_124, %dma_start3A_125] : memref<56x1024xf32, #tpu.memory_space<vmem>> -> memref<8x1024xf32, #tpu.memory_space<vmem>>
    %dma_start3A_127 = arith.constant 0 : i32
    %dma_start3A_128 = tpu.memref_slice %arg7[%add3A_21, %dma_start3A_127] : memref<4096x1024xf32, #tpu.memory_space<hbm>> -> memref<8x1024xf32, #tpu.memory_space<hbm>>
    %dma_start3A_129 = arith.constant 0 : i32
    %dma_start3A_130 = tpu.memref_slice %arg7[%add3A_21, %dma_start3A_129] : memref<4096x1024xf32, #tpu.memory_space<hbm>> -> memref<8x1024xf32, #tpu.memory_space<hbm>>
    %dma_start3A_131 = arith.constant 0 : i32
    %dma_start3A_132 = arith.constant 0 : i32
    %dma_start3A_133 = tpu.memref_slice %arg11[%dma_start3A_131, %dma_start3A_132] : memref<56x1024xf32, #tpu.memory_space<vmem>> -> memref<8x1024xf32, #tpu.memory_space<vmem>>
    tpu.enqueue_dma source(%dma_start3A_133 : memref<8x1024xf32, #tpu.memory_space<vmem>>) target(%dma_start3A_130 : memref<8x1024xf32, #tpu.memory_space<hbm>>) target_semaphore(%arg15 : memref<!tpu.dma_semaphore, #tpu.memory_space<semaphore_mem>>)
    %dma_wait3A_134 = arith.constant 0 : i32
    %dma_wait3A_135 = arith.constant 0 : i32
    %dma_wait3A_136 = tpu.memref_slice %arg12[%dma_wait3A_134, %dma_wait3A_135] : memref<56x1024xf32, #tpu.memory_space<vmem>> -> memref<56x1024xf32, #tpu.memory_space<vmem>>
    %dma_wait3A_137 = arith.constant 128 : i32
    %dma_wait3A_138 = tpu.memref_slice %arg10[%dma_wait3A_137] : memref<248xi32, #tpu.memory_space<vmem>> -> memref<56xi32, #tpu.memory_space<vmem>>
    %dma_wait3A_139 = arith.constant 0 : i32
    %dma_wait3A_140 = arith.constant 0 : i32
    %dma_wait3A_141 = tpu.memref_slice %arg3[%dma_wait3A_139, %dma_wait3A_140] : memref<2048x1024xf32, #tpu.memory_space<hbm>> -> memref<2048x1024xf32, #tpu.memory_space<hbm>>
    tpu.wait_indirect_dma semaphore(%arg14 : memref<!tpu.dma_semaphore, #tpu.memory_space<semaphore_mem>>) src(%dma_wait3A_141 : memref<2048x1024xf32, #tpu.memory_space<hbm>>) dst(%dma_wait3A_136 : memref<56x1024xf32, #tpu.memory_space<vmem>>)
    %dma_wait3A_142 = arith.constant 0 : i32
    %dma_wait3A_143 = arith.constant 0 : i32
    %dma_wait3A_144 = tpu.memref_slice %arg11[%dma_wait3A_142, %dma_wait3A_143] : memref<56x1024xf32, #tpu.memory_space<vmem>> -> memref<8x1024xf32, #tpu.memory_space<vmem>>
    %dma_wait3A_145 = arith.constant 0 : i32
    %dma_wait3A_146 = tpu.memref_slice %arg7[%add3A_21, %dma_wait3A_145] : memref<4096x1024xf32, #tpu.memory_space<hbm>> -> memref<8x1024xf32, #tpu.memory_space<hbm>>
    %dma_wait3A_147 = arith.constant 0 : i32
    %dma_wait3A_148 = tpu.memref_slice %arg7[%add3A_21, %dma_wait3A_147] : memref<4096x1024xf32, #tpu.memory_space<hbm>> -> memref<8x1024xf32, #tpu.memory_space<hbm>>
    %dma_wait3A_149 = arith.constant 0 : i32
    %dma_wait3A_150 = arith.constant 0 : i32
    %dma_wait3A_151 = tpu.memref_slice %arg11[%dma_wait3A_149, %dma_wait3A_150] : memref<56x1024xf32, #tpu.memory_space<vmem>> -> memref<8x1024xf32, #tpu.memory_space<vmem>>
    tpu.wait_dma2 semaphore(%arg15 : memref<!tpu.dma_semaphore, #tpu.memory_space<semaphore_mem>>) src(%dma_wait3A_151 : memref<8x1024xf32, #tpu.memory_space<vmem>>) dst(%dma_wait3A_148 : memref<8x1024xf32, #tpu.memory_space<hbm>>)
    %dma_start3A_152 = arith.constant 0 : i32
    %dma_start3A_153 = arith.constant 0 : i32
    %dma_start3A_154 = tpu.memref_slice %arg11[%dma_start3A_152, %dma_start3A_153] : memref<56x1024xf32, #tpu.memory_space<vmem>> -> memref<24x1024xf32, #tpu.memory_space<vmem>>
    %dma_start3A_155 = arith.constant 192 : i32
    %dma_start3A_156 = tpu.memref_slice %arg10[%dma_start3A_155] : memref<248xi32, #tpu.memory_space<vmem>> -> memref<24xi32, #tpu.memory_space<vmem>>
    %dma_start3A_157 = arith.constant 0 : i32
    %dma_start3A_158 = arith.constant 0 : i32
    %dma_start3A_159 = tpu.memref_slice %arg4[%dma_start3A_157, %dma_start3A_158] : memref<1024x1024xf32, #tpu.memory_space<hbm>> -> memref<1024x1024xf32, #tpu.memory_space<hbm>>
    tpu.enqueue_indirect_dma source(%dma_start3A_159 : memref<1024x1024xf32, #tpu.memory_space<hbm>>) target(%dma_start3A_154 : memref<24x1024xf32, #tpu.memory_space<vmem>>) offsets(%dma_start3A_156 : memref<24xi32, #tpu.memory_space<vmem>>) semaphore(%arg13 : memref<!tpu.dma_semaphore, #tpu.memory_space<semaphore_mem>>)
    %dma_start3A_160 = arith.constant 0 : i32
    %dma_start3A_161 = arith.constant 0 : i32
    %dma_start3A_162 = tpu.memref_slice %arg12[%dma_start3A_160, %dma_start3A_161] : memref<56x1024xf32, #tpu.memory_space<vmem>> -> memref<56x1024xf32, #tpu.memory_space<vmem>>
    %dma_start3A_163 = arith.constant 0 : i32
    %dma_start3A_164 = tpu.memref_slice %arg8[%add3A_25, %dma_start3A_163] : memref<2048x1024xf32, #tpu.memory_space<hbm>> -> memref<56x1024xf32, #tpu.memory_space<hbm>>
    %dma_start3A_165 = arith.constant 0 : i32
    %dma_start3A_166 = tpu.memref_slice %arg8[%add3A_25, %dma_start3A_165] : memref<2048x1024xf32, #tpu.memory_space<hbm>> -> memref<56x1024xf32, #tpu.memory_space<hbm>>
    %dma_start3A_167 = arith.constant 0 : i32
    %dma_start3A_168 = arith.constant 0 : i32
    %dma_start3A_169 = tpu.memref_slice %arg12[%dma_start3A_167, %dma_start3A_168] : memref<56x1024xf32, #tpu.memory_space<vmem>> -> memref<56x1024xf32, #tpu.memory_space<vmem>>
    tpu.enqueue_dma source(%dma_start3A_169 : memref<56x1024xf32, #tpu.memory_space<vmem>>) target(%dma_start3A_166 : memref<56x1024xf32, #tpu.memory_space<hbm>>) target_semaphore(%arg16 : memref<!tpu.dma_semaphore, #tpu.memory_space<semaphore_mem>>)
    %dma_wait3A_170 = arith.constant 0 : i32
    %dma_wait3A_171 = arith.constant 0 : i32
    %dma_wait3A_172 = tpu.memref_slice %arg11[%dma_wait3A_170, %dma_wait3A_171] : memref<56x1024xf32, #tpu.memory_space<vmem>> -> memref<24x1024xf32, #tpu.memory_space<vmem>>
    %dma_wait3A_173 = arith.constant 192 : i32
    %dma_wait3A_174 = tpu.memref_slice %arg10[%dma_wait3A_173] : memref<248xi32, #tpu.memory_space<vmem>> -> memref<24xi32, #tpu.memory_space<vmem>>
    %dma_wait3A_175 = arith.constant 0 : i32
    %dma_wait3A_176 = arith.constant 0 : i32
    %dma_wait3A_177 = tpu.memref_slice %arg4[%dma_wait3A_175, %dma_wait3A_176] : memref<1024x1024xf32, #tpu.memory_space<hbm>> -> memref<1024x1024xf32, #tpu.memory_space<hbm>>
    tpu.wait_indirect_dma semaphore(%arg13 : memref<!tpu.dma_semaphore, #tpu.memory_space<semaphore_mem>>) src(%dma_wait3A_177 : memref<1024x1024xf32, #tpu.memory_space<hbm>>) dst(%dma_wait3A_172 : memref<24x1024xf32, #tpu.memory_space<vmem>>)
    %dma_start3A_178 = arith.constant 0 : i32
    %dma_start3A_179 = arith.constant 0 : i32
    %dma_start3A_180 = tpu.memref_slice %arg11[%dma_start3A_178, %dma_start3A_179] : memref<56x1024xf32, #tpu.memory_space<vmem>> -> memref<24x1024xf32, #tpu.memory_space<vmem>>
    %dma_start3A_181 = arith.constant 0 : i32
    %dma_start3A_182 = tpu.memref_slice %arg9[%add3A_29, %dma_start3A_181] : memref<1024x1024xf32, #tpu.memory_space<hbm>> -> memref<24x1024xf32, #tpu.memory_space<hbm>>
    %dma_start3A_183 = arith.constant 0 : i32
    %dma_start3A_184 = tpu.memref_slice %arg9[%add3A_29, %dma_start3A_183] : memref<1024x1024xf32, #tpu.memory_space<hbm>> -> memref<24x1024xf32, #tpu.memory_space<hbm>>
    %dma_start3A_185 = arith.constant 0 : i32
    %dma_start3A_186 = arith.constant 0 : i32
    %dma_start3A_187 = tpu.memref_slice %arg11[%dma_start3A_185, %dma_start3A_186] : memref<56x1024xf32, #tpu.memory_space<vmem>> -> memref<24x1024xf32, #tpu.memory_space<vmem>>
    tpu.enqueue_dma source(%dma_start3A_187 : memref<24x1024xf32, #tpu.memory_space<vmem>>) target(%dma_start3A_184 : memref<24x1024xf32, #tpu.memory_space<hbm>>) target_semaphore(%arg15 : memref<!tpu.dma_semaphore, #tpu.memory_space<semaphore_mem>>)
    %dma_wait3A_188 = arith.constant 0 : i32
    %dma_wait3A_189 = arith.constant 0 : i32
    %dma_wait3A_190 = tpu.memref_slice %arg12[%dma_wait3A_188, %dma_wait3A_189] : memref<56x1024xf32, #tpu.memory_space<vmem>> -> memref<56x1024xf32, #tpu.memory_space<vmem>>
    %dma_wait3A_191 = arith.constant 0 : i32
    %dma_wait3A_192 = tpu.memref_slice %arg8[%add3A_25, %dma_wait3A_191] : memref<2048x1024xf32, #tpu.memory_space<hbm>> -> memref<56x1024xf32, #tpu.memory_space<hbm>>
    %dma_wait3A_193 = arith.constant 0 : i32
    %dma_wait3A_194 = tpu.memref_slice %arg8[%add3A_25, %dma_wait3A_193] : memref<2048x1024xf32, #tpu.memory_space<hbm>> -> memref<56x1024xf32, #tpu.memory_space<hbm>>
    %dma_wait3A_195 = arith.constant 0 : i32
    %dma_wait3A_196 = arith.constant 0 : i32
    %dma_wait3A_197 = tpu.memref_slice %arg12[%dma_wait3A_195, %dma_wait3A_196] : memref<56x1024xf32, #tpu.memory_space<vmem>> -> memref<56x1024xf32, #tpu.memory_space<vmem>>
    tpu.wait_dma2 semaphore(%arg16 : memref<!tpu.dma_semaphore, #tpu.memory_space<semaphore_mem>>) src(%dma_wait3A_197 : memref<56x1024xf32, #tpu.memory_space<vmem>>) dst(%dma_wait3A_194 : memref<56x1024xf32, #tpu.memory_space<hbm>>)
    %dma_wait3A_198 = arith.constant 0 : i32
    %dma_wait3A_199 = arith.constant 0 : i32
    %dma_wait3A_200 = tpu.memref_slice %arg11[%dma_wait3A_198, %dma_wait3A_199] : memref<56x1024xf32, #tpu.memory_space<vmem>> -> memref<24x1024xf32, #tpu.memory_space<vmem>>
    %dma_wait3A_201 = arith.constant 0 : i32
    %dma_wait3A_202 = tpu.memref_slice %arg9[%add3A_29, %dma_wait3A_201] : memref<1024x1024xf32, #tpu.memory_space<hbm>> -> memref<24x1024xf32, #tpu.memory_space<hbm>>
    %dma_wait3A_203 = arith.constant 0 : i32
    %dma_wait3A_204 = tpu.memref_slice %arg9[%add3A_29, %dma_wait3A_203] : memref<1024x1024xf32, #tpu.memory_space<hbm>> -> memref<24x1024xf32, #tpu.memory_space<hbm>>
    %dma_wait3A_205 = arith.constant 0 : i32
    %dma_wait3A_206 = arith.constant 0 : i32
    %dma_wait3A_207 = tpu.memref_slice %arg11[%dma_wait3A_205, %dma_wait3A_206] : memref<56x1024xf32, #tpu.memory_space<vmem>> -> memref<24x1024xf32, #tpu.memory_space<vmem>>
    tpu.wait_dma2 semaphore(%arg15 : memref<!tpu.dma_semaphore, #tpu.memory_space<semaphore_mem>>) src(%dma_wait3A_207 : memref<24x1024xf32, #tpu.memory_space<vmem>>) dst(%dma_wait3A_204 : memref<24x1024xf32, #tpu.memory_space<hbm>>)
    %not3A = arith.constant true
    %not3A_208 = arith.xori %eq3A_1, %not3A : i1
    %convert_element_type3A = arith.extui %not3A_208 : i1 to i32
    %cond3A = arith.constant 0 : i32
    %cond3A_209 = arith.cmpi ne, %convert_element_type3A, %cond3A : i32
    scf.if %cond3A_209 {
      %dma_start3A_213 = arith.constant 0 : i32
      %dma_start3A_214 = arith.constant 0 : i32
      %dma_start3A_215 = tpu.memref_slice %arg11[%dma_start3A_213, %dma_start3A_214] : memref<56x1024xf32, #tpu.memory_space<vmem>> -> memref<8x1024xf32, #tpu.memory_space<vmem>>
      %dma_start3A_216 = arith.constant 120 : i32
      %dma_start3A_217 = tpu.memref_slice %arg10[%dma_start3A_216] : memref<248xi32, #tpu.memory_space<vmem>> -> memref<8xi32, #tpu.memory_space<vmem>>
      %dma_start3A_218 = arith.constant 0 : i32
      %dma_start3A_219 = arith.constant 0 : i32
      %dma_start3A_220 = tpu.memref_slice %arg2[%dma_start3A_218, %dma_start3A_219] : memref<4096x1024xf32, #tpu.memory_space<hbm>> -> memref<4096x1024xf32, #tpu.memory_space<hbm>>
      tpu.enqueue_indirect_dma source(%dma_start3A_220 : memref<4096x1024xf32, #tpu.memory_space<hbm>>) target(%dma_start3A_215 : memref<8x1024xf32, #tpu.memory_space<vmem>>) offsets(%dma_start3A_217 : memref<8xi32, #tpu.memory_space<vmem>>) semaphore(%arg13 : memref<!tpu.dma_semaphore, #tpu.memory_space<semaphore_mem>>)
      %dma_wait3A_221 = arith.constant 0 : i32
      %dma_wait3A_222 = arith.constant 0 : i32
      %dma_wait3A_223 = tpu.memref_slice %arg11[%dma_wait3A_221, %dma_wait3A_222] : memref<56x1024xf32, #tpu.memory_space<vmem>> -> memref<8x1024xf32, #tpu.memory_space<vmem>>
      %dma_wait3A_224 = arith.constant 120 : i32
      %dma_wait3A_225 = tpu.memref_slice %arg10[%dma_wait3A_224] : memref<248xi32, #tpu.memory_space<vmem>> -> memref<8xi32, #tpu.memory_space<vmem>>
      %dma_wait3A_226 = arith.constant 0 : i32
      %dma_wait3A_227 = arith.constant 0 : i32
      %dma_wait3A_228 = tpu.memref_slice %arg2[%dma_wait3A_226, %dma_wait3A_227] : memref<4096x1024xf32, #tpu.memory_space<hbm>> -> memref<4096x1024xf32, #tpu.memory_space<hbm>>
      tpu.wait_indirect_dma semaphore(%arg13 : memref<!tpu.dma_semaphore, #tpu.memory_space<semaphore_mem>>) src(%dma_wait3A_228 : memref<4096x1024xf32, #tpu.memory_space<hbm>>) dst(%dma_wait3A_223 : memref<8x1024xf32, #tpu.memory_space<vmem>>)
      %mul3A_229 = arith.constant 128 : i32
      %mul3A_230 = arith.muli %add3A, %mul3A_229 : i32
      %add3A_231 = arith.constant 128 : i32
      %add3A_232 = arith.addi %mul3A_230, %add3A_231 : i32
      %sub3A = arith.constant 8 : i32
      %sub3A_233 = arith.subi %add3A_232, %sub3A : i32
      "tpu.region"() ({
        %run_scoped3A = tpu.sem_alloc : memref<!tpu.dma_semaphore, #tpu.memory_space<semaphore_mem>>
        %dma_start3A_278 = arith.constant 0 : i32
        %dma_start3A_279 = arith.constant 0 : i32
        %dma_start3A_280 = tpu.memref_slice %arg11[%dma_start3A_278, %dma_start3A_279] : memref<56x1024xf32, #tpu.memory_space<vmem>> -> memref<8x1024xf32, #tpu.memory_space<vmem>>
        %dma_start3A_281 = arith.constant 0 : i32
        %dma_start3A_282 = tpu.memref_slice %arg7[%sub3A_233, %dma_start3A_281] : memref<4096x1024xf32, #tpu.memory_space<hbm>> -> memref<8x1024xf32, #tpu.memory_space<hbm>>
        %dma_start3A_283 = arith.constant 0 : i32
        %dma_start3A_284 = tpu.memref_slice %arg7[%sub3A_233, %dma_start3A_283] : memref<4096x1024xf32, #tpu.memory_space<hbm>> -> memref<8x1024xf32, #tpu.memory_space<hbm>>
        %dma_start3A_285 = arith.constant 0 : i32
        %dma_start3A_286 = arith.constant 0 : i32
        %dma_start3A_287 = tpu.memref_slice %arg11[%dma_start3A_285, %dma_start3A_286] : memref<56x1024xf32, #tpu.memory_space<vmem>> -> memref<8x1024xf32, #tpu.memory_space<vmem>>
        tpu.enqueue_dma source(%dma_start3A_287 : memref<8x1024xf32, #tpu.memory_space<vmem>>) target(%dma_start3A_284 : memref<8x1024xf32, #tpu.memory_space<hbm>>) target_semaphore(%run_scoped3A : memref<!tpu.dma_semaphore, #tpu.memory_space<semaphore_mem>>)
        %dma_wait3A_288 = arith.constant 0 : i32
        %dma_wait3A_289 = arith.constant 0 : i32
        %dma_wait3A_290 = tpu.memref_slice %arg11[%dma_wait3A_288, %dma_wait3A_289] : memref<56x1024xf32, #tpu.memory_space<vmem>> -> memref<8x1024xf32, #tpu.memory_space<vmem>>
        %dma_wait3A_291 = arith.constant 0 : i32
        %dma_wait3A_292 = tpu.memref_slice %arg7[%sub3A_233, %dma_wait3A_291] : memref<4096x1024xf32, #tpu.memory_space<hbm>> -> memref<8x1024xf32, #tpu.memory_space<hbm>>
        %dma_wait3A_293 = arith.constant 0 : i32
        %dma_wait3A_294 = tpu.memref_slice %arg7[%sub3A_233, %dma_wait3A_293] : memref<4096x1024xf32, #tpu.memory_space<hbm>> -> memref<8x1024xf32, #tpu.memory_space<hbm>>
        %dma_wait3A_295 = arith.constant 0 : i32
        %dma_wait3A_296 = arith.constant 0 : i32
        %dma_wait3A_297 = tpu.memref_slice %arg11[%dma_wait3A_295, %dma_wait3A_296] : memref<56x1024xf32, #tpu.memory_space<vmem>> -> memref<8x1024xf32, #tpu.memory_space<vmem>>
        tpu.wait_dma2 semaphore(%run_scoped3A : memref<!tpu.dma_semaphore, #tpu.memory_space<semaphore_mem>>) src(%dma_wait3A_297 : memref<8x1024xf32, #tpu.memory_space<vmem>>) dst(%dma_wait3A_294 : memref<8x1024xf32, #tpu.memory_space<hbm>>)
        tpu.yield
      }) : () -> ()
      %dma_start3A_234 = arith.constant 0 : i32
      %dma_start3A_235 = arith.constant 0 : i32
      %dma_start3A_236 = tpu.memref_slice %arg11[%dma_start3A_234, %dma_start3A_235] : memref<56x1024xf32, #tpu.memory_space<vmem>> -> memref<8x1024xf32, #tpu.memory_space<vmem>>
      %dma_start3A_237 = arith.constant 184 : i32
      %dma_start3A_238 = tpu.memref_slice %arg10[%dma_start3A_237] : memref<248xi32, #tpu.memory_space<vmem>> -> memref<8xi32, #tpu.memory_space<vmem>>
      %dma_start3A_239 = arith.constant 0 : i32
      %dma_start3A_240 = arith.constant 0 : i32
      %dma_start3A_241 = tpu.memref_slice %arg3[%dma_start3A_239, %dma_start3A_240] : memref<2048x1024xf32, #tpu.memory_space<hbm>> -> memref<2048x1024xf32, #tpu.memory_space<hbm>>
      tpu.enqueue_indirect_dma source(%dma_start3A_241 : memref<2048x1024xf32, #tpu.memory_space<hbm>>) target(%dma_start3A_236 : memref<8x1024xf32, #tpu.memory_space<vmem>>) offsets(%dma_start3A_238 : memref<8xi32, #tpu.memory_space<vmem>>) semaphore(%arg13 : memref<!tpu.dma_semaphore, #tpu.memory_space<semaphore_mem>>)
      %dma_wait3A_242 = arith.constant 0 : i32
      %dma_wait3A_243 = arith.constant 0 : i32
      %dma_wait3A_244 = tpu.memref_slice %arg11[%dma_wait3A_242, %dma_wait3A_243] : memref<56x1024xf32, #tpu.memory_space<vmem>> -> memref<8x1024xf32, #tpu.memory_space<vmem>>
      %dma_wait3A_245 = arith.constant 184 : i32
      %dma_wait3A_246 = tpu.memref_slice %arg10[%dma_wait3A_245] : memref<248xi32, #tpu.memory_space<vmem>> -> memref<8xi32, #tpu.memory_space<vmem>>
      %dma_wait3A_247 = arith.constant 0 : i32
      %dma_wait3A_248 = arith.constant 0 : i32
      %dma_wait3A_249 = tpu.memref_slice %arg3[%dma_wait3A_247, %dma_wait3A_248] : memref<2048x1024xf32, #tpu.memory_space<hbm>> -> memref<2048x1024xf32, #tpu.memory_space<hbm>>
      tpu.wait_indirect_dma semaphore(%arg13 : memref<!tpu.dma_semaphore, #tpu.memory_space<semaphore_mem>>) src(%dma_wait3A_249 : memref<2048x1024xf32, #tpu.memory_space<hbm>>) dst(%dma_wait3A_244 : memref<8x1024xf32, #tpu.memory_space<vmem>>)
      %mul3A_250 = arith.constant 64 : i32
      %mul3A_251 = arith.muli %add3A, %mul3A_250 : i32
      %add3A_252 = arith.constant 64 : i32
      %add3A_253 = arith.addi %mul3A_251, %add3A_252 : i32
      %sub3A_254 = arith.constant 8 : i32
      %sub3A_255 = arith.subi %add3A_253, %sub3A_254 : i32
      "tpu.region"() ({
        %run_scoped3A = tpu.sem_alloc : memref<!tpu.dma_semaphore, #tpu.memory_space<semaphore_mem>>
        %dma_start3A_278 = arith.constant 0 : i32
        %dma_start3A_279 = arith.constant 0 : i32
        %dma_start3A_280 = tpu.memref_slice %arg11[%dma_start3A_278, %dma_start3A_279] : memref<56x1024xf32, #tpu.memory_space<vmem>> -> memref<8x1024xf32, #tpu.memory_space<vmem>>
        %dma_start3A_281 = arith.constant 0 : i32
        %dma_start3A_282 = tpu.memref_slice %arg8[%sub3A_255, %dma_start3A_281] : memref<2048x1024xf32, #tpu.memory_space<hbm>> -> memref<8x1024xf32, #tpu.memory_space<hbm>>
        %dma_start3A_283 = arith.constant 0 : i32
        %dma_start3A_284 = tpu.memref_slice %arg8[%sub3A_255, %dma_start3A_283] : memref<2048x1024xf32, #tpu.memory_space<hbm>> -> memref<8x1024xf32, #tpu.memory_space<hbm>>
        %dma_start3A_285 = arith.constant 0 : i32
        %dma_start3A_286 = arith.constant 0 : i32
        %dma_start3A_287 = tpu.memref_slice %arg11[%dma_start3A_285, %dma_start3A_286] : memref<56x1024xf32, #tpu.memory_space<vmem>> -> memref<8x1024xf32, #tpu.memory_space<vmem>>
        tpu.enqueue_dma source(%dma_start3A_287 : memref<8x1024xf32, #tpu.memory_space<vmem>>) target(%dma_start3A_284 : memref<8x1024xf32, #tpu.memory_space<hbm>>) target_semaphore(%run_scoped3A : memref<!tpu.dma_semaphore, #tpu.memory_space<semaphore_mem>>)
        %dma_wait3A_288 = arith.constant 0 : i32
        %dma_wait3A_289 = arith.constant 0 : i32
        %dma_wait3A_290 = tpu.memref_slice %arg11[%dma_wait3A_288, %dma_wait3A_289] : memref<56x1024xf32, #tpu.memory_space<vmem>> -> memref<8x1024xf32, #tpu.memory_space<vmem>>
        %dma_wait3A_291 = arith.constant 0 : i32
        %dma_wait3A_292 = tpu.memref_slice %arg8[%sub3A_255, %dma_wait3A_291] : memref<2048x1024xf32, #tpu.memory_space<hbm>> -> memref<8x1024xf32, #tpu.memory_space<hbm>>
        %dma_wait3A_293 = arith.constant 0 : i32
        %dma_wait3A_294 = tpu.memref_slice %arg8[%sub3A_255, %dma_wait3A_293] : memref<2048x1024xf32, #tpu.memory_space<hbm>> -> memref<8x1024xf32, #tpu.memory_space<hbm>>
        %dma_wait3A_295 = arith.constant 0 : i32
        %dma_wait3A_296 = arith.constant 0 : i32
        %dma_wait3A_297 = tpu.memref_slice %arg11[%dma_wait3A_295, %dma_wait3A_296] : memref<56x1024xf32, #tpu.memory_space<vmem>> -> memref<8x1024xf32, #tpu.memory_space<vmem>>
        tpu.wait_dma2 semaphore(%run_scoped3A : memref<!tpu.dma_semaphore, #tpu.memory_space<semaphore_mem>>) src(%dma_wait3A_297 : memref<8x1024xf32, #tpu.memory_space<vmem>>) dst(%dma_wait3A_294 : memref<8x1024xf32, #tpu.memory_space<hbm>>)
        tpu.yield
      }) : () -> ()
      %dma_start3A_256 = arith.constant 0 : i32
      %dma_start3A_257 = arith.constant 0 : i32
      %dma_start3A_258 = tpu.memref_slice %arg11[%dma_start3A_256, %dma_start3A_257] : memref<56x1024xf32, #tpu.memory_space<vmem>> -> memref<8x1024xf32, #tpu.memory_space<vmem>>
      %dma_start3A_259 = arith.constant 216 : i32
      %dma_start3A_260 = tpu.memref_slice %arg10[%dma_start3A_259] : memref<248xi32, #tpu.memory_space<vmem>> -> memref<8xi32, #tpu.memory_space<vmem>>
      %dma_start3A_261 = arith.constant 0 : i32
      %dma_start3A_262 = arith.constant 0 : i32
      %dma_start3A_263 = tpu.memref_slice %arg4[%dma_start3A_261, %dma_start3A_262] : memref<1024x1024xf32, #tpu.memory_space<hbm>> -> memref<1024x1024xf32, #tpu.memory_space<hbm>>
      tpu.enqueue_indirect_dma source(%dma_start3A_263 : memref<1024x1024xf32, #tpu.memory_space<hbm>>) target(%dma_start3A_258 : memref<8x1024xf32, #tpu.memory_space<vmem>>) offsets(%dma_start3A_260 : memref<8xi32, #tpu.memory_space<vmem>>) semaphore(%arg13 : memref<!tpu.dma_semaphore, #tpu.memory_space<semaphore_mem>>)
      %dma_wait3A_264 = arith.constant 0 : i32
      %dma_wait3A_265 = arith.constant 0 : i32
      %dma_wait3A_266 = tpu.memref_slice %arg11[%dma_wait3A_264, %dma_wait3A_265] : memref<56x1024xf32, #tpu.memory_space<vmem>> -> memref<8x1024xf32, #tpu.memory_space<vmem>>
      %dma_wait3A_267 = arith.constant 216 : i32
      %dma_wait3A_268 = tpu.memref_slice %arg10[%dma_wait3A_267] : memref<248xi32, #tpu.memory_space<vmem>> -> memref<8xi32, #tpu.memory_space<vmem>>
      %dma_wait3A_269 = arith.constant 0 : i32
      %dma_wait3A_270 = arith.constant 0 : i32
      %dma_wait3A_271 = tpu.memref_slice %arg4[%dma_wait3A_269, %dma_wait3A_270] : memref<1024x1024xf32, #tpu.memory_space<hbm>> -> memref<1024x1024xf32, #tpu.memory_space<hbm>>
      tpu.wait_indirect_dma semaphore(%arg13 : memref<!tpu.dma_semaphore, #tpu.memory_space<semaphore_mem>>) src(%dma_wait3A_271 : memref<1024x1024xf32, #tpu.memory_space<hbm>>) dst(%dma_wait3A_266 : memref<8x1024xf32, #tpu.memory_space<vmem>>)
      %mul3A_272 = arith.constant 32 : i32
      %mul3A_273 = arith.muli %add3A, %mul3A_272 : i32
      %add3A_274 = arith.constant 32 : i32
      %add3A_275 = arith.addi %mul3A_273, %add3A_274 : i32
      %sub3A_276 = arith.constant 8 : i32
      %sub3A_277 = arith.subi %add3A_275, %sub3A_276 : i32
      "tpu.region"() ({
        %run_scoped3A = tpu.sem_alloc : memref<!tpu.dma_semaphore, #tpu.memory_space<semaphore_mem>>
        %dma_start3A_278 = arith.constant 0 : i32
        %dma_start3A_279 = arith.constant 0 : i32
        %dma_start3A_280 = tpu.memref_slice %arg11[%dma_start3A_278, %dma_start3A_279] : memref<56x1024xf32, #tpu.memory_space<vmem>> -> memref<8x1024xf32, #tpu.memory_space<vmem>>
        %dma_start3A_281 = arith.constant 0 : i32
        %dma_start3A_282 = tpu.memref_slice %arg9[%sub3A_277, %dma_start3A_281] : memref<1024x1024xf32, #tpu.memory_space<hbm>> -> memref<8x1024xf32, #tpu.memory_space<hbm>>
        %dma_start3A_283 = arith.constant 0 : i32
        %dma_start3A_284 = tpu.memref_slice %arg9[%sub3A_277, %dma_start3A_283] : memref<1024x1024xf32, #tpu.memory_space<hbm>> -> memref<8x1024xf32, #tpu.memory_space<hbm>>
        %dma_start3A_285 = arith.constant 0 : i32
        %dma_start3A_286 = arith.constant 0 : i32
        %dma_start3A_287 = tpu.memref_slice %arg11[%dma_start3A_285, %dma_start3A_286] : memref<56x1024xf32, #tpu.memory_space<vmem>> -> memref<8x1024xf32, #tpu.memory_space<vmem>>
        tpu.enqueue_dma source(%dma_start3A_287 : memref<8x1024xf32, #tpu.memory_space<vmem>>) target(%dma_start3A_284 : memref<8x1024xf32, #tpu.memory_space<hbm>>) target_semaphore(%run_scoped3A : memref<!tpu.dma_semaphore, #tpu.memory_space<semaphore_mem>>)
        %dma_wait3A_288 = arith.constant 0 : i32
        %dma_wait3A_289 = arith.constant 0 : i32
        %dma_wait3A_290 = tpu.memref_slice %arg11[%dma_wait3A_288, %dma_wait3A_289] : memref<56x1024xf32, #tpu.memory_space<vmem>> -> memref<8x1024xf32, #tpu.memory_space<vmem>>
        %dma_wait3A_291 = arith.constant 0 : i32
        %dma_wait3A_292 = tpu.memref_slice %arg9[%sub3A_277, %dma_wait3A_291] : memref<1024x1024xf32, #tpu.memory_space<hbm>> -> memref<8x1024xf32, #tpu.memory_space<hbm>>
        %dma_wait3A_293 = arith.constant 0 : i32
        %dma_wait3A_294 = tpu.memref_slice %arg9[%sub3A_277, %dma_wait3A_293] : memref<1024x1024xf32, #tpu.memory_space<hbm>> -> memref<8x1024xf32, #tpu.memory_space<hbm>>
        %dma_wait3A_295 = arith.constant 0 : i32
        %dma_wait3A_296 = arith.constant 0 : i32
        %dma_wait3A_297 = tpu.memref_slice %arg11[%dma_wait3A_295, %dma_wait3A_296] : memref<56x1024xf32, #tpu.memory_space<vmem>> -> memref<8x1024xf32, #tpu.memory_space<vmem>>
        tpu.wait_dma2 semaphore(%run_scoped3A : memref<!tpu.dma_semaphore, #tpu.memory_space<semaphore_mem>>) src(%dma_wait3A_297 : memref<8x1024xf32, #tpu.memory_space<vmem>>) dst(%dma_wait3A_294 : memref<8x1024xf32, #tpu.memory_space<hbm>>)
        tpu.yield
      }) : () -> ()
    } else {
    }
    %convert_element_type3A_210 = arith.extui %eq3A_1 : i1 to i32
    %cond3A_211 = arith.constant 0 : i32
    %cond3A_212 = arith.cmpi ne, %convert_element_type3A_210, %cond3A_211 : i32
    scf.if %cond3A_212 {
      %dma_start3A_213 = arith.constant 0 : i32
      %dma_start3A_214 = arith.constant 0 : i32
      %dma_start3A_215 = tpu.memref_slice %arg11[%dma_start3A_213, %dma_start3A_214] : memref<56x1024xf32, #tpu.memory_space<vmem>> -> memref<8x1024xf32, #tpu.memory_space<vmem>>
      %dma_start3A_216 = arith.constant 224 : i32
      %dma_start3A_217 = tpu.memref_slice %arg10[%dma_start3A_216] : memref<248xi32, #tpu.memory_space<vmem>> -> memref<8xi32, #tpu.memory_space<vmem>>
      %dma_start3A_218 = arith.constant 0 : i32
      %dma_start3A_219 = arith.constant 0 : i32
      %dma_start3A_220 = tpu.memref_slice %arg5[%dma_start3A_218, %dma_start3A_219] : memref<512x1024xf32, #tpu.memory_space<hbm>> -> memref<512x1024xf32, #tpu.memory_space<hbm>>
      tpu.enqueue_indirect_dma source(%dma_start3A_220 : memref<512x1024xf32, #tpu.memory_space<hbm>>) target(%dma_start3A_215 : memref<8x1024xf32, #tpu.memory_space<vmem>>) offsets(%dma_start3A_217 : memref<8xi32, #tpu.memory_space<vmem>>) semaphore(%arg13 : memref<!tpu.dma_semaphore, #tpu.memory_space<semaphore_mem>>)
      %dma_wait3A_221 = arith.constant 0 : i32
      %dma_wait3A_222 = arith.constant 0 : i32
      %dma_wait3A_223 = tpu.memref_slice %arg11[%dma_wait3A_221, %dma_wait3A_222] : memref<56x1024xf32, #tpu.memory_space<vmem>> -> memref<8x1024xf32, #tpu.memory_space<vmem>>
      %dma_wait3A_224 = arith.constant 224 : i32
      %dma_wait3A_225 = tpu.memref_slice %arg10[%dma_wait3A_224] : memref<248xi32, #tpu.memory_space<vmem>> -> memref<8xi32, #tpu.memory_space<vmem>>
      %dma_wait3A_226 = arith.constant 0 : i32
      %dma_wait3A_227 = arith.constant 0 : i32
      %dma_wait3A_228 = tpu.memref_slice %arg5[%dma_wait3A_226, %dma_wait3A_227] : memref<512x1024xf32, #tpu.memory_space<hbm>> -> memref<512x1024xf32, #tpu.memory_space<hbm>>
      tpu.wait_indirect_dma semaphore(%arg13 : memref<!tpu.dma_semaphore, #tpu.memory_space<semaphore_mem>>) src(%dma_wait3A_228 : memref<512x1024xf32, #tpu.memory_space<hbm>>) dst(%dma_wait3A_223 : memref<8x1024xf32, #tpu.memory_space<vmem>>)
      "tpu.region"() ({
        %run_scoped3A = tpu.sem_alloc : memref<!tpu.dma_semaphore, #tpu.memory_space<semaphore_mem>>
        %dma_start3A_261 = arith.constant 0 : i32
        %dma_start3A_262 = arith.constant 0 : i32
        %dma_start3A_263 = tpu.memref_slice %arg11[%dma_start3A_261, %dma_start3A_262] : memref<56x1024xf32, #tpu.memory_space<vmem>> -> memref<8x1024xf32, #tpu.memory_space<vmem>>
        %dma_start3A_264 = arith.constant 4088 : i32
        %dma_start3A_265 = arith.constant 0 : i32
        %dma_start3A_266 = tpu.memref_slice %arg7[%dma_start3A_264, %dma_start3A_265] : memref<4096x1024xf32, #tpu.memory_space<hbm>> -> memref<8x1024xf32, #tpu.memory_space<hbm>>
        %dma_start3A_267 = arith.constant 4088 : i32
        %dma_start3A_268 = arith.constant 0 : i32
        %dma_start3A_269 = tpu.memref_slice %arg7[%dma_start3A_267, %dma_start3A_268] : memref<4096x1024xf32, #tpu.memory_space<hbm>> -> memref<8x1024xf32, #tpu.memory_space<hbm>>
        %dma_start3A_270 = arith.constant 0 : i32
        %dma_start3A_271 = arith.constant 0 : i32
        %dma_start3A_272 = tpu.memref_slice %arg11[%dma_start3A_270, %dma_start3A_271] : memref<56x1024xf32, #tpu.memory_space<vmem>> -> memref<8x1024xf32, #tpu.memory_space<vmem>>
        tpu.enqueue_dma source(%dma_start3A_272 : memref<8x1024xf32, #tpu.memory_space<vmem>>) target(%dma_start3A_269 : memref<8x1024xf32, #tpu.memory_space<hbm>>) target_semaphore(%run_scoped3A : memref<!tpu.dma_semaphore, #tpu.memory_space<semaphore_mem>>)
        %dma_wait3A_273 = arith.constant 0 : i32
        %dma_wait3A_274 = arith.constant 0 : i32
        %dma_wait3A_275 = tpu.memref_slice %arg11[%dma_wait3A_273, %dma_wait3A_274] : memref<56x1024xf32, #tpu.memory_space<vmem>> -> memref<8x1024xf32, #tpu.memory_space<vmem>>
        %dma_wait3A_276 = arith.constant 4088 : i32
        %dma_wait3A_277 = arith.constant 0 : i32
        %dma_wait3A_278 = tpu.memref_slice %arg7[%dma_wait3A_276, %dma_wait3A_277] : memref<4096x1024xf32, #tpu.memory_space<hbm>> -> memref<8x1024xf32, #tpu.memory_space<hbm>>
        %dma_wait3A_279 = arith.constant 4088 : i32
        %dma_wait3A_280 = arith.constant 0 : i32
        %dma_wait3A_281 = tpu.memref_slice %arg7[%dma_wait3A_279, %dma_wait3A_280] : memref<4096x1024xf32, #tpu.memory_space<hbm>> -> memref<8x1024xf32, #tpu.memory_space<hbm>>
        %dma_wait3A_282 = arith.constant 0 : i32
        %dma_wait3A_283 = arith.constant 0 : i32
        %dma_wait3A_284 = tpu.memref_slice %arg11[%dma_wait3A_282, %dma_wait3A_283] : memref<56x1024xf32, #tpu.memory_space<vmem>> -> memref<8x1024xf32, #tpu.memory_space<vmem>>
        tpu.wait_dma2 semaphore(%run_scoped3A : memref<!tpu.dma_semaphore, #tpu.memory_space<semaphore_mem>>) src(%dma_wait3A_284 : memref<8x1024xf32, #tpu.memory_space<vmem>>) dst(%dma_wait3A_281 : memref<8x1024xf32, #tpu.memory_space<hbm>>)
        tpu.yield
      }) : () -> ()
      %dma_start3A_229 = arith.constant 0 : i32
      %dma_start3A_230 = arith.constant 0 : i32
      %dma_start3A_231 = tpu.memref_slice %arg11[%dma_start3A_229, %dma_start3A_230] : memref<56x1024xf32, #tpu.memory_space<vmem>> -> memref<8x1024xf32, #tpu.memory_space<vmem>>
      %dma_start3A_232 = arith.constant 232 : i32
      %dma_start3A_233 = tpu.memref_slice %arg10[%dma_start3A_232] : memref<248xi32, #tpu.memory_space<vmem>> -> memref<8xi32, #tpu.memory_space<vmem>>
      %dma_start3A_234 = arith.constant 0 : i32
      %dma_start3A_235 = arith.constant 0 : i32
      %dma_start3A_236 = tpu.memref_slice %arg5[%dma_start3A_234, %dma_start3A_235] : memref<512x1024xf32, #tpu.memory_space<hbm>> -> memref<512x1024xf32, #tpu.memory_space<hbm>>
      tpu.enqueue_indirect_dma source(%dma_start3A_236 : memref<512x1024xf32, #tpu.memory_space<hbm>>) target(%dma_start3A_231 : memref<8x1024xf32, #tpu.memory_space<vmem>>) offsets(%dma_start3A_233 : memref<8xi32, #tpu.memory_space<vmem>>) semaphore(%arg13 : memref<!tpu.dma_semaphore, #tpu.memory_space<semaphore_mem>>)
      %dma_wait3A_237 = arith.constant 0 : i32
      %dma_wait3A_238 = arith.constant 0 : i32
      %dma_wait3A_239 = tpu.memref_slice %arg11[%dma_wait3A_237, %dma_wait3A_238] : memref<56x1024xf32, #tpu.memory_space<vmem>> -> memref<8x1024xf32, #tpu.memory_space<vmem>>
      %dma_wait3A_240 = arith.constant 232 : i32
      %dma_wait3A_241 = tpu.memref_slice %arg10[%dma_wait3A_240] : memref<248xi32, #tpu.memory_space<vmem>> -> memref<8xi32, #tpu.memory_space<vmem>>
      %dma_wait3A_242 = arith.constant 0 : i32
      %dma_wait3A_243 = arith.constant 0 : i32
      %dma_wait3A_244 = tpu.memref_slice %arg5[%dma_wait3A_242, %dma_wait3A_243] : memref<512x1024xf32, #tpu.memory_space<hbm>> -> memref<512x1024xf32, #tpu.memory_space<hbm>>
      tpu.wait_indirect_dma semaphore(%arg13 : memref<!tpu.dma_semaphore, #tpu.memory_space<semaphore_mem>>) src(%dma_wait3A_244 : memref<512x1024xf32, #tpu.memory_space<hbm>>) dst(%dma_wait3A_239 : memref<8x1024xf32, #tpu.memory_space<vmem>>)
      "tpu.region"() ({
        %run_scoped3A = tpu.sem_alloc : memref<!tpu.dma_semaphore, #tpu.memory_space<semaphore_mem>>
        %dma_start3A_261 = arith.constant 0 : i32
        %dma_start3A_262 = arith.constant 0 : i32
        %dma_start3A_263 = tpu.memref_slice %arg11[%dma_start3A_261, %dma_start3A_262] : memref<56x1024xf32, #tpu.memory_space<vmem>> -> memref<8x1024xf32, #tpu.memory_space<vmem>>
        %dma_start3A_264 = arith.constant 2040 : i32
        %dma_start3A_265 = arith.constant 0 : i32
        %dma_start3A_266 = tpu.memref_slice %arg8[%dma_start3A_264, %dma_start3A_265] : memref<2048x1024xf32, #tpu.memory_space<hbm>> -> memref<8x1024xf32, #tpu.memory_space<hbm>>
        %dma_start3A_267 = arith.constant 2040 : i32
        %dma_start3A_268 = arith.constant 0 : i32
        %dma_start3A_269 = tpu.memref_slice %arg8[%dma_start3A_267, %dma_start3A_268] : memref<2048x1024xf32, #tpu.memory_space<hbm>> -> memref<8x1024xf32, #tpu.memory_space<hbm>>
        %dma_start3A_270 = arith.constant 0 : i32
        %dma_start3A_271 = arith.constant 0 : i32
        %dma_start3A_272 = tpu.memref_slice %arg11[%dma_start3A_270, %dma_start3A_271] : memref<56x1024xf32, #tpu.memory_space<vmem>> -> memref<8x1024xf32, #tpu.memory_space<vmem>>
        tpu.enqueue_dma source(%dma_start3A_272 : memref<8x1024xf32, #tpu.memory_space<vmem>>) target(%dma_start3A_269 : memref<8x1024xf32, #tpu.memory_space<hbm>>) target_semaphore(%run_scoped3A : memref<!tpu.dma_semaphore, #tpu.memory_space<semaphore_mem>>)
        %dma_wait3A_273 = arith.constant 0 : i32
        %dma_wait3A_274 = arith.constant 0 : i32
        %dma_wait3A_275 = tpu.memref_slice %arg11[%dma_wait3A_273, %dma_wait3A_274] : memref<56x1024xf32, #tpu.memory_space<vmem>> -> memref<8x1024xf32, #tpu.memory_space<vmem>>
        %dma_wait3A_276 = arith.constant 2040 : i32
        %dma_wait3A_277 = arith.constant 0 : i32
        %dma_wait3A_278 = tpu.memref_slice %arg8[%dma_wait3A_276, %dma_wait3A_277] : memref<2048x1024xf32, #tpu.memory_space<hbm>> -> memref<8x1024xf32, #tpu.memory_space<hbm>>
        %dma_wait3A_279 = arith.constant 2040 : i32
        %dma_wait3A_280 = arith.constant 0 : i32
        %dma_wait3A_281 = tpu.memref_slice %arg8[%dma_wait3A_279, %dma_wait3A_280] : memref<2048x1024xf32, #tpu.memory_space<hbm>> -> memref<8x1024xf32, #tpu.memory_space<hbm>>
        %dma_wait3A_282 = arith.constant 0 : i32
        %dma_wait3A_283 = arith.constant 0 : i32
        %dma_wait3A_284 = tpu.memref_slice %arg11[%dma_wait3A_282, %dma_wait3A_283] : memref<56x1024xf32, #tpu.memory_space<vmem>> -> memref<8x1024xf32, #tpu.memory_space<vmem>>
        tpu.wait_dma2 semaphore(%run_scoped3A : memref<!tpu.dma_semaphore, #tpu.memory_space<semaphore_mem>>) src(%dma_wait3A_284 : memref<8x1024xf32, #tpu.memory_space<vmem>>) dst(%dma_wait3A_281 : memref<8x1024xf32, #tpu.memory_space<hbm>>)
        tpu.yield
      }) : () -> ()
      %dma_start3A_245 = arith.constant 0 : i32
      %dma_start3A_246 = arith.constant 0 : i32
      %dma_start3A_247 = tpu.memref_slice %arg11[%dma_start3A_245, %dma_start3A_246] : memref<56x1024xf32, #tpu.memory_space<vmem>> -> memref<8x1024xf32, #tpu.memory_space<vmem>>
      %dma_start3A_248 = arith.constant 240 : i32
      %dma_start3A_249 = tpu.memref_slice %arg10[%dma_start3A_248] : memref<248xi32, #tpu.memory_space<vmem>> -> memref<8xi32, #tpu.memory_space<vmem>>
      %dma_start3A_250 = arith.constant 0 : i32
      %dma_start3A_251 = arith.constant 0 : i32
      %dma_start3A_252 = tpu.memref_slice %arg5[%dma_start3A_250, %dma_start3A_251] : memref<512x1024xf32, #tpu.memory_space<hbm>> -> memref<512x1024xf32, #tpu.memory_space<hbm>>
      tpu.enqueue_indirect_dma source(%dma_start3A_252 : memref<512x1024xf32, #tpu.memory_space<hbm>>) target(%dma_start3A_247 : memref<8x1024xf32, #tpu.memory_space<vmem>>) offsets(%dma_start3A_249 : memref<8xi32, #tpu.memory_space<vmem>>) semaphore(%arg13 : memref<!tpu.dma_semaphore, #tpu.memory_space<semaphore_mem>>)
      %dma_wait3A_253 = arith.constant 0 : i32
      %dma_wait3A_254 = arith.constant 0 : i32
      %dma_wait3A_255 = tpu.memref_slice %arg11[%dma_wait3A_253, %dma_wait3A_254] : memref<56x1024xf32, #tpu.memory_space<vmem>> -> memref<8x1024xf32, #tpu.memory_space<vmem>>
      %dma_wait3A_256 = arith.constant 240 : i32
      %dma_wait3A_257 = tpu.memref_slice %arg10[%dma_wait3A_256] : memref<248xi32, #tpu.memory_space<vmem>> -> memref<8xi32, #tpu.memory_space<vmem>>
      %dma_wait3A_258 = arith.constant 0 : i32
      %dma_wait3A_259 = arith.constant 0 : i32
      %dma_wait3A_260 = tpu.memref_slice %arg5[%dma_wait3A_258, %dma_wait3A_259] : memref<512x1024xf32, #tpu.memory_space<hbm>> -> memref<512x1024xf32, #tpu.memory_space<hbm>>
      tpu.wait_indirect_dma semaphore(%arg13 : memref<!tpu.dma_semaphore, #tpu.memory_space<semaphore_mem>>) src(%dma_wait3A_260 : memref<512x1024xf32, #tpu.memory_space<hbm>>) dst(%dma_wait3A_255 : memref<8x1024xf32, #tpu.memory_space<vmem>>)
      "tpu.region"() ({
        %run_scoped3A = tpu.sem_alloc : memref<!tpu.dma_semaphore, #tpu.memory_space<semaphore_mem>>
        %dma_start3A_261 = arith.constant 0 : i32
        %dma_start3A_262 = arith.constant 0 : i32
        %dma_start3A_263 = tpu.memref_slice %arg11[%dma_start3A_261, %dma_start3A_262] : memref<56x1024xf32, #tpu.memory_space<vmem>> -> memref<8x1024xf32, #tpu.memory_space<vmem>>
        %dma_start3A_264 = arith.constant 1016 : i32
        %dma_start3A_265 = arith.constant 0 : i32
        %dma_start3A_266 = tpu.memref_slice %arg9[%dma_start3A_264, %dma_start3A_265] : memref<1024x1024xf32, #tpu.memory_space<hbm>> -> memref<8x1024xf32, #tpu.memory_space<hbm>>
        %dma_start3A_267 = arith.constant 1016 : i32
        %dma_start3A_268 = arith.constant 0 : i32
        %dma_start3A_269 = tpu.memref_slice %arg9[%dma_start3A_267, %dma_start3A_268] : memref<1024x1024xf32, #tpu.memory_space<hbm>> -> memref<8x1024xf32, #tpu.memory_space<hbm>>
        %dma_start3A_270 = arith.constant 0 : i32
        %dma_start3A_271 = arith.constant 0 : i32
        %dma_start3A_272 = tpu.memref_slice %arg11[%dma_start3A_270, %dma_start3A_271] : memref<56x1024xf32, #tpu.memory_space<vmem>> -> memref<8x1024xf32, #tpu.memory_space<vmem>>
        tpu.enqueue_dma source(%dma_start3A_272 : memref<8x1024xf32, #tpu.memory_space<vmem>>) target(%dma_start3A_269 : memref<8x1024xf32, #tpu.memory_space<hbm>>) target_semaphore(%run_scoped3A : memref<!tpu.dma_semaphore, #tpu.memory_space<semaphore_mem>>)
        %dma_wait3A_273 = arith.constant 0 : i32
        %dma_wait3A_274 = arith.constant 0 : i32
        %dma_wait3A_275 = tpu.memref_slice %arg11[%dma_wait3A_273, %dma_wait3A_274] : memref<56x1024xf32, #tpu.memory_space<vmem>> -> memref<8x1024xf32, #tpu.memory_space<vmem>>
        %dma_wait3A_276 = arith.constant 1016 : i32
        %dma_wait3A_277 = arith.constant 0 : i32
        %dma_wait3A_278 = tpu.memref_slice %arg9[%dma_wait3A_276, %dma_wait3A_277] : memref<1024x1024xf32, #tpu.memory_space<hbm>> -> memref<8x1024xf32, #tpu.memory_space<hbm>>
        %dma_wait3A_279 = arith.constant 1016 : i32
        %dma_wait3A_280 = arith.constant 0 : i32
        %dma_wait3A_281 = tpu.memref_slice %arg9[%dma_wait3A_279, %dma_wait3A_280] : memref<1024x1024xf32, #tpu.memory_space<hbm>> -> memref<8x1024xf32, #tpu.memory_space<hbm>>
        %dma_wait3A_282 = arith.constant 0 : i32
        %dma_wait3A_283 = arith.constant 0 : i32
        %dma_wait3A_284 = tpu.memref_slice %arg11[%dma_wait3A_282, %dma_wait3A_283] : memref<56x1024xf32, #tpu.memory_space<vmem>> -> memref<8x1024xf32, #tpu.memory_space<vmem>>
        tpu.wait_dma2 semaphore(%run_scoped3A : memref<!tpu.dma_semaphore, #tpu.memory_space<semaphore_mem>>) src(%dma_wait3A_284 : memref<8x1024xf32, #tpu.memory_space<vmem>>) dst(%dma_wait3A_281 : memref<8x1024xf32, #tpu.memory_space<hbm>>)
        tpu.yield
      }) : () -> ()
    } else {
    }
    return
  }
}

module attributes {stable_mosaic.version = 14 : i64} {
  func.func @_tt_body(%arg0: i32, %arg1: i32, %arg2: memref<1x1x512xi32, #tpu.memory_space<vmem>>, %arg3: memref<1x1x2048xi32, #tpu.memory_space<vmem>>, %arg4: memref<1x512x2048xi32, #tpu.memory_space<vmem>>, %arg5: memref<512x2048xf32, #tpu.memory_space<vmem>>) attributes {dimension_semantics = [#tpu.dimension_semantics<arbitrary>, #tpu.dimension_semantics<arbitrary>], iteration_bounds = array<i64: 4, 4>, scalar_prefetch = 0 : i64, scratch_operands = 0 : i64, tpu.core_type = #tpu.core_type<tc>, window_params = [{transform_indices = @transform_0, window_bounds = array<i64: 1, 1, 512>}, {transform_indices = @transform_1, window_bounds = array<i64: 1, 1, 2048>}, {transform_indices = @transform_2, window_bounds = array<i64: 1, 512, 2048>}, {transform_indices = @transform_3, window_bounds = array<i64: 512, 2048>}]} {
    %get3A = arith.constant 0 : index
    %get3A_0 = arith.constant 0 : index
    %get3A_1 = arith.constant 0 : index
    %get3A_2 = vector.load %arg2[%get3A, %get3A_0, %get3A_1] : memref<1x1x512xi32, #tpu.memory_space<vmem>>, vector<1x1x512xi32>
    %get3A_3 = vector.shape_cast %get3A_2 : vector<1x1x512xi32> to vector<512xi32>
    %broadcast_in_dim3A = vector.shape_cast %get3A_3 : vector<512xi32> to vector<512x1xi32>
    %broadcast_in_dim3A_4 = vector.shape_cast %broadcast_in_dim3A : vector<512x1xi32> to vector<512x1xi32>
    %broadcast_in_dim3A_5 = vector.broadcast %broadcast_in_dim3A_4 : vector<512x1xi32> to vector<512x2048xi32>
    %get3A_6 = arith.constant 0 : index
    %get3A_7 = arith.constant 0 : index
    %get3A_8 = arith.constant 0 : index
    %get3A_9 = vector.load %arg3[%get3A_6, %get3A_7, %get3A_8] : memref<1x1x2048xi32, #tpu.memory_space<vmem>>, vector<1x1x2048xi32>
    %get3A_10 = vector.shape_cast %get3A_9 : vector<1x1x2048xi32> to vector<2048xi32>
    %broadcast_in_dim3A_11 = vector.shape_cast %get3A_10 : vector<2048xi32> to vector<1x2048xi32>
    %broadcast_in_dim3A_12 = vector.shape_cast %broadcast_in_dim3A_11 : vector<1x2048xi32> to vector<1x2048xi32>
    %broadcast_in_dim3A_13 = vector.broadcast %broadcast_in_dim3A_12 : vector<1x2048xi32> to vector<512x2048xi32>
    %eq3A = arith.cmpi eq, %broadcast_in_dim3A_5, %broadcast_in_dim3A_13 : vector<512x2048xi32>
    %eq3A_14 = arith.constant 2 : i32
    %eq3A_15 = vector.broadcast %eq3A_14 : i32 to vector<512x2048xi32>
    %eq3A_16 = arith.cmpi eq, %broadcast_in_dim3A_5, %eq3A_15 : vector<512x2048xi32>
    %or3A = arith.ori %eq3A, %eq3A_16 : vector<512x2048xi1>
    %eq3A_17 = arith.constant 2 : i32
    %eq3A_18 = vector.broadcast %eq3A_17 : i32 to vector<512x2048xi32>
    %eq3A_19 = arith.cmpi eq, %broadcast_in_dim3A_13, %eq3A_18 : vector<512x2048xi32>
    %or3A_20 = arith.ori %or3A, %eq3A_19 : vector<512x2048xi1>
    %swap3A = arith.constant 0 : index
    %swap3A_21 = arith.constant 0 : index
    %swap3A_22 = arith.constant 0 : index
    %swap3A_23 = vector.load %arg4[%swap3A, %swap3A_21, %swap3A_22] : memref<1x512x2048xi32, #tpu.memory_space<vmem>>, vector<1x512x2048xi32>
    %swap3A_24 = arith.extui %or3A_20 : vector<512x2048xi1> to vector<512x2048xi32>
    %swap3A_25 = vector.shape_cast %swap3A_23 : vector<1x512x2048xi32> to vector<512x2048xi32>
    %swap3A_26 = vector.shape_cast %swap3A_24 : vector<512x2048xi32> to vector<1x512x2048xi32>
    %swap3A_27 = arith.constant dense<0> : vector<512x2048xi32>
    %swap3A_28 = arith.cmpi ne, %swap3A_25, %swap3A_27 : vector<512x2048xi32>
    tpu.vector_store %arg4[%swap3A, %swap3A_21, %swap3A_22], %swap3A_26 {strides = array<i32>} : memref<1x512x2048xi32, #tpu.memory_space<vmem>>, vector<1x512x2048xi32>,
    %eq3A_29 = arith.constant 0 : i32
    %eq3A_30 = arith.cmpi eq, %arg1, %eq3A_29 : i32
    %convert_element_type3A = arith.extui %eq3A_30 : i1 to i32
    %cond3A = arith.constant 0 : i32
    %cond3A_31 = arith.cmpi ne, %convert_element_type3A, %cond3A : i32
    scf.if %cond3A_31 {
      %iota3A = tpu.iota {dimensions = array<i32: 0>} : vector<512x2048xi32>
      %iota3A_32 = tpu.iota {dimensions = array<i32: 1>} : vector<512x2048xi32>
      %mul3A = arith.constant 512 : i32
      %mul3A_33 = arith.muli %arg0, %mul3A : i32
      %add3A = vector.broadcast %mul3A_33 : i32 to vector<512x2048xi32>
      %add3A_34 = arith.addi %iota3A, %add3A : vector<512x2048xi32>
      %gt3A = arith.constant 0 : i32
      %gt3A_35 = vector.broadcast %gt3A : i32 to vector<512x2048xi32>
      %gt3A_36 = arith.cmpi sgt, %add3A_34, %gt3A_35 : vector<512x2048xi32>
      %gt3A_37 = arith.constant 0 : i32
      %gt3A_38 = vector.broadcast %gt3A_37 : i32 to vector<512x2048xi32>
      %gt3A_39 = arith.cmpi sgt, %iota3A_32, %gt3A_38 : vector<512x2048xi32>
      %and3A = arith.andi %gt3A_36, %gt3A_39 : vector<512x2048xi1>
      %convert_element_type3A_40 = arith.extui %and3A : vector<512x2048xi1> to vector<512x2048xi32>
      %convert_element_type3A_41 = arith.sitofp %convert_element_type3A_40 : vector<512x2048xi32> to vector<512x2048xf32>
      %swap3A_42 = arith.constant 0 : index
      %swap3A_43 = arith.constant 0 : index
      %swap3A_44 = vector.load %arg5[%swap3A_42, %swap3A_43] : memref<512x2048xf32, #tpu.memory_space<vmem>>, vector<512x2048xf32>
      tpu.vector_store %arg5[%swap3A_42, %swap3A_43], %convert_element_type3A_41 {strides = array<i32>} : memref<512x2048xf32, #tpu.memory_space<vmem>>, vector<512x2048xf32>,
    } else {
    }
    return
  }
  func.func @transform_0(%arg0: i32, %arg1: i32) -> (i32, i32, i32) {
    %c0_i32 = arith.constant 0 : i32
    %c0_i32_0 = arith.constant 0 : i32
    return %arg1, %c0_i32, %arg0 : i32, i32, i32
  }
  func.func @transform_1(%arg0: i32, %arg1: i32) -> (i32, i32, i32) {
    %c0_i32 = arith.constant 0 : i32
    %c0_i32_0 = arith.constant 0 : i32
    %c0_i32_1 = arith.constant 0 : i32
    return %arg1, %c0_i32, %c0_i32_0 : i32, i32, i32
  }
  func.func @transform_2(%arg0: i32, %arg1: i32) -> (i32, i32, i32) {
    %c0_i32 = arith.constant 0 : i32
    %c0_i32_0 = arith.constant 0 : i32
    return %arg1, %arg0, %c0_i32 : i32, i32, i32
  }
  func.func @transform_3(%arg0: i32, %arg1: i32) -> (i32, i32) {
    %c0_i32 = arith.constant 0 : i32
    %c0_i32_0 = arith.constant 0 : i32
    return %arg0, %c0_i32 : i32, i32
  }
}

module attributes {stable_mosaic.version = 14 : i64} {
  func.func @_pe_body(%arg0: i32, %arg1: memref<1x1x512xf32, #tpu.memory_space<vmem>>, %arg2: memref<1x512xf32, #tpu.memory_space<vmem>>, %arg3: memref<512x1024xf32, #tpu.memory_space<vmem>>, %arg4: memref<512x1024xf32, #tpu.memory_space<vmem>>, %arg5: memref<512x1024xf32, #tpu.memory_space<vmem>>, %arg6: memref<512x1024xf32, #tpu.memory_space<vmem>>, %arg7: memref<512x1024xf32, #tpu.memory_space<vmem>>) attributes {dimension_semantics = [#tpu.dimension_semantics<arbitrary>], iteration_bounds = array<i64: 16>, scalar_prefetch = 0 : i64, scratch_operands = 0 : i64, tpu.core_type = #tpu.core_type<tc>, window_params = [{transform_indices = @transform_0, window_bounds = array<i64: 1, 1, 512>}, {pipeline_mode = #tpu.pipeline_mode<synchronous>, transform_indices = @transform_1, window_bounds = array<i64: 1, 512>}, {transform_indices = @transform_2, window_bounds = array<i64: 512, 1024>}, {transform_indices = @transform_3, window_bounds = array<i64: 512, 1024>}, {transform_indices = @transform_4, window_bounds = array<i64: 512, 1024>}, {transform_indices = @transform_5, window_bounds = array<i64: 512, 1024>}, {transform_indices = @transform_6, window_bounds = array<i64: 512, 1024>}]} {
    %get3A = arith.constant 0 : index
    %get3A_0 = arith.constant 0 : index
    %get3A_1 = arith.constant 0 : index
    %get3A_2 = vector.load %arg1[%get3A, %get3A_0, %get3A_1] : memref<1x1x512xf32, #tpu.memory_space<vmem>>, vector<1x1x512xf32>
    %get3A_3 = vector.shape_cast %get3A_2 : vector<1x1x512xf32> to vector<512xf32>
    %get3A_4 = arith.constant 0 : index
    %get3A_5 = arith.constant 0 : index
    %get3A_6 = vector.load %arg2[%get3A_4, %get3A_5] : memref<1x512xf32, #tpu.memory_space<vmem>>, vector<1x512xf32>
    %get3A_7 = vector.shape_cast %get3A_6 : vector<1x512xf32> to vector<512xf32>
    %slice3A = vector.extract_strided_slice %get3A_3 {offsets = [0], sizes = [8], strides = [1]} : vector<512xf32> to vector<8xf32>
    %broadcast_in_dim3A = vector.shape_cast %slice3A : vector<8xf32> to vector<8x1xf32>
    %broadcast_in_dim3A_8 = vector.shape_cast %get3A_7 : vector<512xf32> to vector<1x512xf32>
    %mul3A = vector.broadcast %broadcast_in_dim3A : vector<8x1xf32> to vector<8x512xf32>
    %mul3A_9 = vector.broadcast %broadcast_in_dim3A_8 : vector<1x512xf32> to vector<8x512xf32>
    %mul3A_10 = arith.mulf %mul3A, %mul3A_9 : vector<8x512xf32>
    %sin3A = math.sin %mul3A_10 : vector<8x512xf32>
    %cos3A = math.cos %mul3A_10 : vector<8x512xf32>
    %slice3A_11 = vector.extract_strided_slice %get3A_3 {offsets = [1], sizes = [1], strides = [1]} : vector<512xf32> to vector<1xf32>
    %slice3A_12 = vector.extract_strided_slice %get3A_3 {offsets = [0], sizes = [1], strides = [1]} : vector<512xf32> to vector<1xf32>
    %sub3A = arith.subf %slice3A_11, %slice3A_12 : vector<1xf32>
    %mul3A_13 = arith.constant 8.000000e+00 : f32
    %mul3A_14 = vector.broadcast %mul3A_13 : f32 to vector<1xf32>
    %mul3A_15 = arith.mulf %mul3A_14, %sub3A : vector<1xf32>
    %broadcast_in_dim3A_16 = vector.shape_cast %mul3A_15 : vector<1xf32> to vector<1x1xf32>
    %broadcast_in_dim3A_17 = vector.shape_cast %get3A_7 : vector<512xf32> to vector<1x512xf32>
    %mul3A_18 = vector.broadcast %broadcast_in_dim3A_16 : vector<1x1xf32> to vector<1x512xf32>
    %mul3A_19 = arith.mulf %mul3A_18, %broadcast_in_dim3A_17 : vector<1x512xf32>
    %sin3A_20 = math.sin %mul3A_19 : vector<1x512xf32>
    %cos3A_21 = math.cos %mul3A_19 : vector<1x512xf32>
    %mul3A_22 = arith.constant 1.600000e+01 : f32
    %mul3A_23 = vector.broadcast %mul3A_22 : f32 to vector<1xf32>
    %mul3A_24 = arith.mulf %mul3A_23, %sub3A : vector<1xf32>
    %broadcast_in_dim3A_25 = vector.shape_cast %mul3A_24 : vector<1xf32> to vector<1x1xf32>
    %broadcast_in_dim3A_26 = vector.shape_cast %get3A_7 : vector<512xf32> to vector<1x512xf32>
    %mul3A_27 = vector.broadcast %broadcast_in_dim3A_25 : vector<1x1xf32> to vector<1x512xf32>
    %mul3A_28 = arith.mulf %mul3A_27, %broadcast_in_dim3A_26 : vector<1x512xf32>
    %sin3A_29 = math.sin %mul3A_28 : vector<1x512xf32>
    %cos3A_30 = math.cos %mul3A_28 : vector<1x512xf32>
    %mul3A_31 = arith.constant 3.200000e+01 : f32
    %mul3A_32 = vector.broadcast %mul3A_31 : f32 to vector<1xf32>
    %mul3A_33 = arith.mulf %mul3A_32, %sub3A : vector<1xf32>
    %broadcast_in_dim3A_34 = vector.shape_cast %mul3A_33 : vector<1xf32> to vector<1x1xf32>
    %broadcast_in_dim3A_35 = vector.shape_cast %get3A_7 : vector<512xf32> to vector<1x512xf32>
    %mul3A_36 = vector.broadcast %broadcast_in_dim3A_34 : vector<1x1xf32> to vector<1x512xf32>
    %mul3A_37 = arith.mulf %mul3A_36, %broadcast_in_dim3A_35 : vector<1x512xf32>
    %sin3A_38 = math.sin %mul3A_37 : vector<1x512xf32>
    %cos3A_39 = math.cos %mul3A_37 : vector<1x512xf32>
    %mul3A_40 = arith.constant 6.400000e+01 : f32
    %mul3A_41 = vector.broadcast %mul3A_40 : f32 to vector<1xf32>
    %mul3A_42 = arith.mulf %mul3A_41, %sub3A : vector<1xf32>
    %broadcast_in_dim3A_43 = vector.shape_cast %mul3A_42 : vector<1xf32> to vector<1x1xf32>
    %broadcast_in_dim3A_44 = vector.shape_cast %get3A_7 : vector<512xf32> to vector<1x512xf32>
    %mul3A_45 = vector.broadcast %broadcast_in_dim3A_43 : vector<1x1xf32> to vector<1x512xf32>
    %mul3A_46 = arith.mulf %mul3A_45, %broadcast_in_dim3A_44 : vector<1x512xf32>
    %sin3A_47 = math.sin %mul3A_46 : vector<1x512xf32>
    %cos3A_48 = math.cos %mul3A_46 : vector<1x512xf32>
    %mul3A_49 = arith.constant 1.280000e+02 : f32
    %mul3A_50 = vector.broadcast %mul3A_49 : f32 to vector<1xf32>
    %mul3A_51 = arith.mulf %mul3A_50, %sub3A : vector<1xf32>
    %broadcast_in_dim3A_52 = vector.shape_cast %mul3A_51 : vector<1xf32> to vector<1x1xf32>
    %broadcast_in_dim3A_53 = vector.shape_cast %get3A_7 : vector<512xf32> to vector<1x512xf32>
    %mul3A_54 = vector.broadcast %broadcast_in_dim3A_52 : vector<1x1xf32> to vector<1x512xf32>
    %mul3A_55 = arith.mulf %mul3A_54, %broadcast_in_dim3A_53 : vector<1x512xf32>
    %sin3A_56 = math.sin %mul3A_55 : vector<1x512xf32>
    %cos3A_57 = math.cos %mul3A_55 : vector<1x512xf32>
    %mul3A_58 = arith.constant 2.560000e+02 : f32
    %mul3A_59 = vector.broadcast %mul3A_58 : f32 to vector<1xf32>
    %mul3A_60 = arith.mulf %mul3A_59, %sub3A : vector<1xf32>
    %broadcast_in_dim3A_61 = vector.shape_cast %mul3A_60 : vector<1xf32> to vector<1x1xf32>
    %broadcast_in_dim3A_62 = vector.shape_cast %get3A_7 : vector<512xf32> to vector<1x512xf32>
    %mul3A_63 = vector.broadcast %broadcast_in_dim3A_61 : vector<1x1xf32> to vector<1x512xf32>
    %mul3A_64 = arith.mulf %mul3A_63, %broadcast_in_dim3A_62 : vector<1x512xf32>
    %sin3A_65 = math.sin %mul3A_64 : vector<1x512xf32>
    %cos3A_66 = math.cos %mul3A_64 : vector<1x512xf32>
    %ge3A = arith.constant 0 : i32
    %ge3A_67 = arith.cmpi sge, %arg0, %ge3A : i32
    %lt3A = arith.constant 8 : i32
    %lt3A_68 = arith.cmpi slt, %arg0, %lt3A : i32
    %and3A = arith.andi %ge3A_67, %lt3A_68 : i1
    %convert_element_type3A = arith.extui %and3A : i1 to i32
    %cond3A = arith.constant 0 : i32
    %cond3A_69 = arith.cmpi ne, %convert_element_type3A, %cond3A : i32
    scf.if %cond3A_69 {
      %swap3A = arith.constant 0 : index
      %swap3A_102 = arith.constant 0 : index
      %swap3A_103 = vector.load %arg3[%swap3A, %swap3A_102] : memref<512x1024xf32, #tpu.memory_space<vmem>>, vector<8x512xf32>
      tpu.vector_store %arg3[%swap3A, %swap3A_102], %sin3A {strides = array<i32>} : memref<512x1024xf32, #tpu.memory_space<vmem>>, vector<8x512xf32>,
      %swap3A_104 = arith.constant 0 : index
      %swap3A_105 = arith.constant 512 : index
      %swap3A_106 = vector.load %arg3[%swap3A_104, %swap3A_105] : memref<512x1024xf32, #tpu.memory_space<vmem>>, vector<8x512xf32>
      tpu.vector_store %arg3[%swap3A_104, %swap3A_105], %cos3A {strides = array<i32>} : memref<512x1024xf32, #tpu.memory_space<vmem>>, vector<8x512xf32>,
      %get3A_107 = arith.constant 0 : index
      %get3A_108 = arith.constant 0 : index
      %get3A_109 = vector.load %arg3[%get3A_107, %get3A_108] : memref<512x1024xf32, #tpu.memory_space<vmem>>, vector<8x512xf32>
      %get3A_110 = arith.constant 0 : index
      %get3A_111 = arith.constant 512 : index
      %get3A_112 = vector.load %arg3[%get3A_110, %get3A_111] : memref<512x1024xf32, #tpu.memory_space<vmem>>, vector<8x512xf32>
      %mul3A_113 = vector.broadcast %cos3A_21 : vector<1x512xf32> to vector<8x512xf32>
      %mul3A_114 = arith.mulf %get3A_109, %mul3A_113 : vector<8x512xf32>
      %mul3A_115 = vector.broadcast %sin3A_20 : vector<1x512xf32> to vector<8x512xf32>
      %mul3A_116 = arith.mulf %get3A_112, %mul3A_115 : vector<8x512xf32>
      %add3A = arith.addf %mul3A_114, %mul3A_116 : vector<8x512xf32>
      %swap3A_117 = arith.constant 8 : index
      %swap3A_118 = arith.constant 0 : index
      %swap3A_119 = vector.load %arg3[%swap3A_117, %swap3A_118] : memref<512x1024xf32, #tpu.memory_space<vmem>>, vector<8x512xf32>
      tpu.vector_store %arg3[%swap3A_117, %swap3A_118], %add3A {strides = array<i32>} : memref<512x1024xf32, #tpu.memory_space<vmem>>, vector<8x512xf32>,
      %mul3A_120 = vector.broadcast %cos3A_21 : vector<1x512xf32> to vector<8x512xf32>
      %mul3A_121 = arith.mulf %get3A_112, %mul3A_120 : vector<8x512xf32>
      %mul3A_122 = vector.broadcast %sin3A_20 : vector<1x512xf32> to vector<8x512xf32>
      %mul3A_123 = arith.mulf %get3A_109, %mul3A_122 : vector<8x512xf32>
      %sub3A_124 = arith.subf %mul3A_121, %mul3A_123 : vector<8x512xf32>
      %swap3A_125 = arith.constant 8 : index
      %swap3A_126 = arith.constant 512 : index
      %swap3A_127 = vector.load %arg3[%swap3A_125, %swap3A_126] : memref<512x1024xf32, #tpu.memory_space<vmem>>, vector<8x512xf32>
      tpu.vector_store %arg3[%swap3A_125, %swap3A_126], %sub3A_124 {strides = array<i32>} : memref<512x1024xf32, #tpu.memory_space<vmem>>, vector<8x512xf32>,
      %get3A_128 = arith.constant 0 : index
      %get3A_129 = arith.constant 0 : index
      %get3A_130 = vector.load %arg3[%get3A_128, %get3A_129] : memref<512x1024xf32, #tpu.memory_space<vmem>>, vector<16x512xf32>
      %get3A_131 = arith.constant 0 : index
      %get3A_132 = arith.constant 512 : index
      %get3A_133 = vector.load %arg3[%get3A_131, %get3A_132] : memref<512x1024xf32, #tpu.memory_space<vmem>>, vector<16x512xf32>
      %mul3A_134 = vector.broadcast %cos3A_30 : vector<1x512xf32> to vector<16x512xf32>
      %mul3A_135 = arith.mulf %get3A_130, %mul3A_134 : vector<16x512xf32>
      %mul3A_136 = vector.broadcast %sin3A_29 : vector<1x512xf32> to vector<16x512xf32>
      %mul3A_137 = arith.mulf %get3A_133, %mul3A_136 : vector<16x512xf32>
      %add3A_138 = arith.addf %mul3A_135, %mul3A_137 : vector<16x512xf32>
      %swap3A_139 = arith.constant 16 : index
      %swap3A_140 = arith.constant 0 : index
      %swap3A_141 = vector.load %arg3[%swap3A_139, %swap3A_140] : memref<512x1024xf32, #tpu.memory_space<vmem>>, vector<16x512xf32>
      tpu.vector_store %arg3[%swap3A_139, %swap3A_140], %add3A_138 {strides = array<i32>} : memref<512x1024xf32, #tpu.memory_space<vmem>>, vector<16x512xf32>,
      %mul3A_142 = vector.broadcast %cos3A_30 : vector<1x512xf32> to vector<16x512xf32>
      %mul3A_143 = arith.mulf %get3A_133, %mul3A_142 : vector<16x512xf32>
      %mul3A_144 = vector.broadcast %sin3A_29 : vector<1x512xf32> to vector<16x512xf32>
      %mul3A_145 = arith.mulf %get3A_130, %mul3A_144 : vector<16x512xf32>
      %sub3A_146 = arith.subf %mul3A_143, %mul3A_145 : vector<16x512xf32>
      %swap3A_147 = arith.constant 16 : index
      %swap3A_148 = arith.constant 512 : index
      %swap3A_149 = vector.load %arg3[%swap3A_147, %swap3A_148] : memref<512x1024xf32, #tpu.memory_space<vmem>>, vector<16x512xf32>
      tpu.vector_store %arg3[%swap3A_147, %swap3A_148], %sub3A_146 {strides = array<i32>} : memref<512x1024xf32, #tpu.memory_space<vmem>>, vector<16x512xf32>,
      %get3A_150 = arith.constant 0 : index
      %get3A_151 = arith.constant 0 : index
      %get3A_152 = vector.load %arg3[%get3A_150, %get3A_151] : memref<512x1024xf32, #tpu.memory_space<vmem>>, vector<32x512xf32>
      %get3A_153 = arith.constant 0 : index
      %get3A_154 = arith.constant 512 : index
      %get3A_155 = vector.load %arg3[%get3A_153, %get3A_154] : memref<512x1024xf32, #tpu.memory_space<vmem>>, vector<32x512xf32>
      %mul3A_156 = vector.broadcast %cos3A_39 : vector<1x512xf32> to vector<32x512xf32>
      %mul3A_157 = arith.mulf %get3A_152, %mul3A_156 : vector<32x512xf32>
      %mul3A_158 = vector.broadcast %sin3A_38 : vector<1x512xf32> to vector<32x512xf32>
      %mul3A_159 = arith.mulf %get3A_155, %mul3A_158 : vector<32x512xf32>
      %add3A_160 = arith.addf %mul3A_157, %mul3A_159 : vector<32x512xf32>
      %swap3A_161 = arith.constant 32 : index
      %swap3A_162 = arith.constant 0 : index
      %swap3A_163 = vector.load %arg3[%swap3A_161, %swap3A_162] : memref<512x1024xf32, #tpu.memory_space<vmem>>, vector<32x512xf32>
      tpu.vector_store %arg3[%swap3A_161, %swap3A_162], %add3A_160 {strides = array<i32>} : memref<512x1024xf32, #tpu.memory_space<vmem>>, vector<32x512xf32>,
      %mul3A_164 = vector.broadcast %cos3A_39 : vector<1x512xf32> to vector<32x512xf32>
      %mul3A_165 = arith.mulf %get3A_155, %mul3A_164 : vector<32x512xf32>
      %mul3A_166 = vector.broadcast %sin3A_38 : vector<1x512xf32> to vector<32x512xf32>
      %mul3A_167 = arith.mulf %get3A_152, %mul3A_166 : vector<32x512xf32>
      %sub3A_168 = arith.subf %mul3A_165, %mul3A_167 : vector<32x512xf32>
      %swap3A_169 = arith.constant 32 : index
      %swap3A_170 = arith.constant 512 : index
      %swap3A_171 = vector.load %arg3[%swap3A_169, %swap3A_170] : memref<512x1024xf32, #tpu.memory_space<vmem>>, vector<32x512xf32>
      tpu.vector_store %arg3[%swap3A_169, %swap3A_170], %sub3A_168 {strides = array<i32>} : memref<512x1024xf32, #tpu.memory_space<vmem>>, vector<32x512xf32>,
      %get3A_172 = arith.constant 0 : index
      %get3A_173 = arith.constant 0 : index
      %get3A_174 = vector.load %arg3[%get3A_172, %get3A_173] : memref<512x1024xf32, #tpu.memory_space<vmem>>, vector<64x512xf32>
      %get3A_175 = arith.constant 0 : index
      %get3A_176 = arith.constant 512 : index
      %get3A_177 = vector.load %arg3[%get3A_175, %get3A_176] : memref<512x1024xf32, #tpu.memory_space<vmem>>, vector<64x512xf32>
      %mul3A_178 = vector.broadcast %cos3A_48 : vector<1x512xf32> to vector<64x512xf32>
      %mul3A_179 = arith.mulf %get3A_174, %mul3A_178 : vector<64x512xf32>
      %mul3A_180 = vector.broadcast %sin3A_47 : vector<1x512xf32> to vector<64x512xf32>
      %mul3A_181 = arith.mulf %get3A_177, %mul3A_180 : vector<64x512xf32>
      %add3A_182 = arith.addf %mul3A_179, %mul3A_181 : vector<64x512xf32>
      %swap3A_183 = arith.constant 64 : index
      %swap3A_184 = arith.constant 0 : index
      %swap3A_185 = vector.load %arg3[%swap3A_183, %swap3A_184] : memref<512x1024xf32, #tpu.memory_space<vmem>>, vector<64x512xf32>
      tpu.vector_store %arg3[%swap3A_183, %swap3A_184], %add3A_182 {strides = array<i32>} : memref<512x1024xf32, #tpu.memory_space<vmem>>, vector<64x512xf32>,
      %mul3A_186 = vector.broadcast %cos3A_48 : vector<1x512xf32> to vector<64x512xf32>
      %mul3A_187 = arith.mulf %get3A_177, %mul3A_186 : vector<64x512xf32>
      %mul3A_188 = vector.broadcast %sin3A_47 : vector<1x512xf32> to vector<64x512xf32>
      %mul3A_189 = arith.mulf %get3A_174, %mul3A_188 : vector<64x512xf32>
      %sub3A_190 = arith.subf %mul3A_187, %mul3A_189 : vector<64x512xf32>
      %swap3A_191 = arith.constant 64 : index
      %swap3A_192 = arith.constant 512 : index
      %swap3A_193 = vector.load %arg3[%swap3A_191, %swap3A_192] : memref<512x1024xf32, #tpu.memory_space<vmem>>, vector<64x512xf32>
      tpu.vector_store %arg3[%swap3A_191, %swap3A_192], %sub3A_190 {strides = array<i32>} : memref<512x1024xf32, #tpu.memory_space<vmem>>, vector<64x512xf32>,
      %get3A_194 = arith.constant 0 : index
      %get3A_195 = arith.constant 0 : index
      %get3A_196 = vector.load %arg3[%get3A_194, %get3A_195] : memref<512x1024xf32, #tpu.memory_space<vmem>>, vector<128x512xf32>
      %get3A_197 = arith.constant 0 : index
      %get3A_198 = arith.constant 512 : index
      %get3A_199 = vector.load %arg3[%get3A_197, %get3A_198] : memref<512x1024xf32, #tpu.memory_space<vmem>>, vector<128x512xf32>
      %mul3A_200 = vector.broadcast %cos3A_57 : vector<1x512xf32> to vector<128x512xf32>
      %mul3A_201 = arith.mulf %get3A_196, %mul3A_200 : vector<128x512xf32>
      %mul3A_202 = vector.broadcast %sin3A_56 : vector<1x512xf32> to vector<128x512xf32>
      %mul3A_203 = arith.mulf %get3A_199, %mul3A_202 : vector<128x512xf32>
      %add3A_204 = arith.addf %mul3A_201, %mul3A_203 : vector<128x512xf32>
      %swap3A_205 = arith.constant 128 : index
      %swap3A_206 = arith.constant 0 : index
      %swap3A_207 = vector.load %arg3[%swap3A_205, %swap3A_206] : memref<512x1024xf32, #tpu.memory_space<vmem>>, vector<128x512xf32>
      tpu.vector_store %arg3[%swap3A_205, %swap3A_206], %add3A_204 {strides = array<i32>} : memref<512x1024xf32, #tpu.memory_space<vmem>>, vector<128x512xf32>,
      %mul3A_208 = vector.broadcast %cos3A_57 : vector<1x512xf32> to vector<128x512xf32>
      %mul3A_209 = arith.mulf %get3A_199, %mul3A_208 : vector<128x512xf32>
      %mul3A_210 = vector.broadcast %sin3A_56 : vector<1x512xf32> to vector<128x512xf32>
      %mul3A_211 = arith.mulf %get3A_196, %mul3A_210 : vector<128x512xf32>
      %sub3A_212 = arith.subf %mul3A_209, %mul3A_211 : vector<128x512xf32>
      %swap3A_213 = arith.constant 128 : index
      %swap3A_214 = arith.constant 512 : index
      %swap3A_215 = vector.load %arg3[%swap3A_213, %swap3A_214] : memref<512x1024xf32, #tpu.memory_space<vmem>>, vector<128x512xf32>
      tpu.vector_store %arg3[%swap3A_213, %swap3A_214], %sub3A_212 {strides = array<i32>} : memref<512x1024xf32, #tpu.memory_space<vmem>>, vector<128x512xf32>,
      %get3A_216 = arith.constant 0 : index
      %get3A_217 = arith.constant 0 : index
      %get3A_218 = vector.load %arg3[%get3A_216, %get3A_217] : memref<512x1024xf32, #tpu.memory_space<vmem>>, vector<256x512xf32>
      %get3A_219 = arith.constant 0 : index
      %get3A_220 = arith.constant 512 : index
      %get3A_221 = vector.load %arg3[%get3A_219, %get3A_220] : memref<512x1024xf32, #tpu.memory_space<vmem>>, vector<256x512xf32>
      %mul3A_222 = vector.broadcast %cos3A_66 : vector<1x512xf32> to vector<256x512xf32>
      %mul3A_223 = arith.mulf %get3A_218, %mul3A_222 : vector<256x512xf32>
      %mul3A_224 = vector.broadcast %sin3A_65 : vector<1x512xf32> to vector<256x512xf32>
      %mul3A_225 = arith.mulf %get3A_221, %mul3A_224 : vector<256x512xf32>
      %add3A_226 = arith.addf %mul3A_223, %mul3A_225 : vector<256x512xf32>
      %swap3A_227 = arith.constant 256 : index
      %swap3A_228 = arith.constant 0 : index
      %swap3A_229 = vector.load %arg3[%swap3A_227, %swap3A_228] : memref<512x1024xf32, #tpu.memory_space<vmem>>, vector<256x512xf32>
      tpu.vector_store %arg3[%swap3A_227, %swap3A_228], %add3A_226 {strides = array<i32>} : memref<512x1024xf32, #tpu.memory_space<vmem>>, vector<256x512xf32>,
      %mul3A_230 = vector.broadcast %cos3A_66 : vector<1x512xf32> to vector<256x512xf32>
      %mul3A_231 = arith.mulf %get3A_221, %mul3A_230 : vector<256x512xf32>
      %mul3A_232 = vector.broadcast %sin3A_65 : vector<1x512xf32> to vector<256x512xf32>
      %mul3A_233 = arith.mulf %get3A_218, %mul3A_232 : vector<256x512xf32>
      %sub3A_234 = arith.subf %mul3A_231, %mul3A_233 : vector<256x512xf32>
      %swap3A_235 = arith.constant 256 : index
      %swap3A_236 = arith.constant 512 : index
      %swap3A_237 = vector.load %arg3[%swap3A_235, %swap3A_236] : memref<512x1024xf32, #tpu.memory_space<vmem>>, vector<256x512xf32>
      tpu.vector_store %arg3[%swap3A_235, %swap3A_236], %sub3A_234 {strides = array<i32>} : memref<512x1024xf32, #tpu.memory_space<vmem>>, vector<256x512xf32>,
    } else {
    }
    %ge3A_70 = arith.constant 8 : i32
    %ge3A_71 = arith.cmpi sge, %arg0, %ge3A_70 : i32
    %lt3A_72 = arith.constant 12 : i32
    %lt3A_73 = arith.cmpi slt, %arg0, %lt3A_72 : i32
    %and3A_74 = arith.andi %ge3A_71, %lt3A_73 : i1
    %convert_element_type3A_75 = arith.extui %and3A_74 : i1 to i32
    %cond3A_76 = arith.constant 0 : i32
    %cond3A_77 = arith.cmpi ne, %convert_element_type3A_75, %cond3A_76 : i32
    scf.if %cond3A_77 {
      %swap3A = arith.constant 0 : index
      %swap3A_102 = arith.constant 0 : index
      %swap3A_103 = vector.load %arg4[%swap3A, %swap3A_102] : memref<512x1024xf32, #tpu.memory_space<vmem>>, vector<8x512xf32>
      tpu.vector_store %arg4[%swap3A, %swap3A_102], %sin3A {strides = array<i32>} : memref<512x1024xf32, #tpu.memory_space<vmem>>, vector<8x512xf32>,
      %swap3A_104 = arith.constant 0 : index
      %swap3A_105 = arith.constant 512 : index
      %swap3A_106 = vector.load %arg4[%swap3A_104, %swap3A_105] : memref<512x1024xf32, #tpu.memory_space<vmem>>, vector<8x512xf32>
      tpu.vector_store %arg4[%swap3A_104, %swap3A_105], %cos3A {strides = array<i32>} : memref<512x1024xf32, #tpu.memory_space<vmem>>, vector<8x512xf32>,
      %get3A_107 = arith.constant 0 : index
      %get3A_108 = arith.constant 0 : index
      %get3A_109 = vector.load %arg4[%get3A_107, %get3A_108] : memref<512x1024xf32, #tpu.memory_space<vmem>>, vector<8x512xf32>
      %get3A_110 = arith.constant 0 : index
      %get3A_111 = arith.constant 512 : index
      %get3A_112 = vector.load %arg4[%get3A_110, %get3A_111] : memref<512x1024xf32, #tpu.memory_space<vmem>>, vector<8x512xf32>
      %mul3A_113 = vector.broadcast %cos3A_21 : vector<1x512xf32> to vector<8x512xf32>
      %mul3A_114 = arith.mulf %get3A_109, %mul3A_113 : vector<8x512xf32>
      %mul3A_115 = vector.broadcast %sin3A_20 : vector<1x512xf32> to vector<8x512xf32>
      %mul3A_116 = arith.mulf %get3A_112, %mul3A_115 : vector<8x512xf32>
      %add3A = arith.addf %mul3A_114, %mul3A_116 : vector<8x512xf32>
      %swap3A_117 = arith.constant 8 : index
      %swap3A_118 = arith.constant 0 : index
      %swap3A_119 = vector.load %arg4[%swap3A_117, %swap3A_118] : memref<512x1024xf32, #tpu.memory_space<vmem>>, vector<8x512xf32>
      tpu.vector_store %arg4[%swap3A_117, %swap3A_118], %add3A {strides = array<i32>} : memref<512x1024xf32, #tpu.memory_space<vmem>>, vector<8x512xf32>,
      %mul3A_120 = vector.broadcast %cos3A_21 : vector<1x512xf32> to vector<8x512xf32>
      %mul3A_121 = arith.mulf %get3A_112, %mul3A_120 : vector<8x512xf32>
      %mul3A_122 = vector.broadcast %sin3A_20 : vector<1x512xf32> to vector<8x512xf32>
      %mul3A_123 = arith.mulf %get3A_109, %mul3A_122 : vector<8x512xf32>
      %sub3A_124 = arith.subf %mul3A_121, %mul3A_123 : vector<8x512xf32>
      %swap3A_125 = arith.constant 8 : index
      %swap3A_126 = arith.constant 512 : index
      %swap3A_127 = vector.load %arg4[%swap3A_125, %swap3A_126] : memref<512x1024xf32, #tpu.memory_space<vmem>>, vector<8x512xf32>
      tpu.vector_store %arg4[%swap3A_125, %swap3A_126], %sub3A_124 {strides = array<i32>} : memref<512x1024xf32, #tpu.memory_space<vmem>>, vector<8x512xf32>,
      %get3A_128 = arith.constant 0 : index
      %get3A_129 = arith.constant 0 : index
      %get3A_130 = vector.load %arg4[%get3A_128, %get3A_129] : memref<512x1024xf32, #tpu.memory_space<vmem>>, vector<16x512xf32>
      %get3A_131 = arith.constant 0 : index
      %get3A_132 = arith.constant 512 : index
      %get3A_133 = vector.load %arg4[%get3A_131, %get3A_132] : memref<512x1024xf32, #tpu.memory_space<vmem>>, vector<16x512xf32>
      %mul3A_134 = vector.broadcast %cos3A_30 : vector<1x512xf32> to vector<16x512xf32>
      %mul3A_135 = arith.mulf %get3A_130, %mul3A_134 : vector<16x512xf32>
      %mul3A_136 = vector.broadcast %sin3A_29 : vector<1x512xf32> to vector<16x512xf32>
      %mul3A_137 = arith.mulf %get3A_133, %mul3A_136 : vector<16x512xf32>
      %add3A_138 = arith.addf %mul3A_135, %mul3A_137 : vector<16x512xf32>
      %swap3A_139 = arith.constant 16 : index
      %swap3A_140 = arith.constant 0 : index
      %swap3A_141 = vector.load %arg4[%swap3A_139, %swap3A_140] : memref<512x1024xf32, #tpu.memory_space<vmem>>, vector<16x512xf32>
      tpu.vector_store %arg4[%swap3A_139, %swap3A_140], %add3A_138 {strides = array<i32>} : memref<512x1024xf32, #tpu.memory_space<vmem>>, vector<16x512xf32>,
      %mul3A_142 = vector.broadcast %cos3A_30 : vector<1x512xf32> to vector<16x512xf32>
      %mul3A_143 = arith.mulf %get3A_133, %mul3A_142 : vector<16x512xf32>
      %mul3A_144 = vector.broadcast %sin3A_29 : vector<1x512xf32> to vector<16x512xf32>
      %mul3A_145 = arith.mulf %get3A_130, %mul3A_144 : vector<16x512xf32>
      %sub3A_146 = arith.subf %mul3A_143, %mul3A_145 : vector<16x512xf32>
      %swap3A_147 = arith.constant 16 : index
      %swap3A_148 = arith.constant 512 : index
      %swap3A_149 = vector.load %arg4[%swap3A_147, %swap3A_148] : memref<512x1024xf32, #tpu.memory_space<vmem>>, vector<16x512xf32>
      tpu.vector_store %arg4[%swap3A_147, %swap3A_148], %sub3A_146 {strides = array<i32>} : memref<512x1024xf32, #tpu.memory_space<vmem>>, vector<16x512xf32>,
      %get3A_150 = arith.constant 0 : index
      %get3A_151 = arith.constant 0 : index
      %get3A_152 = vector.load %arg4[%get3A_150, %get3A_151] : memref<512x1024xf32, #tpu.memory_space<vmem>>, vector<32x512xf32>
      %get3A_153 = arith.constant 0 : index
      %get3A_154 = arith.constant 512 : index
      %get3A_155 = vector.load %arg4[%get3A_153, %get3A_154] : memref<512x1024xf32, #tpu.memory_space<vmem>>, vector<32x512xf32>
      %mul3A_156 = vector.broadcast %cos3A_39 : vector<1x512xf32> to vector<32x512xf32>
      %mul3A_157 = arith.mulf %get3A_152, %mul3A_156 : vector<32x512xf32>
      %mul3A_158 = vector.broadcast %sin3A_38 : vector<1x512xf32> to vector<32x512xf32>
      %mul3A_159 = arith.mulf %get3A_155, %mul3A_158 : vector<32x512xf32>
      %add3A_160 = arith.addf %mul3A_157, %mul3A_159 : vector<32x512xf32>
      %swap3A_161 = arith.constant 32 : index
      %swap3A_162 = arith.constant 0 : index
      %swap3A_163 = vector.load %arg4[%swap3A_161, %swap3A_162] : memref<512x1024xf32, #tpu.memory_space<vmem>>, vector<32x512xf32>
      tpu.vector_store %arg4[%swap3A_161, %swap3A_162], %add3A_160 {strides = array<i32>} : memref<512x1024xf32, #tpu.memory_space<vmem>>, vector<32x512xf32>,
      %mul3A_164 = vector.broadcast %cos3A_39 : vector<1x512xf32> to vector<32x512xf32>
      %mul3A_165 = arith.mulf %get3A_155, %mul3A_164 : vector<32x512xf32>
      %mul3A_166 = vector.broadcast %sin3A_38 : vector<1x512xf32> to vector<32x512xf32>
      %mul3A_167 = arith.mulf %get3A_152, %mul3A_166 : vector<32x512xf32>
      %sub3A_168 = arith.subf %mul3A_165, %mul3A_167 : vector<32x512xf32>
      %swap3A_169 = arith.constant 32 : index
      %swap3A_170 = arith.constant 512 : index
      %swap3A_171 = vector.load %arg4[%swap3A_169, %swap3A_170] : memref<512x1024xf32, #tpu.memory_space<vmem>>, vector<32x512xf32>
      tpu.vector_store %arg4[%swap3A_169, %swap3A_170], %sub3A_168 {strides = array<i32>} : memref<512x1024xf32, #tpu.memory_space<vmem>>, vector<32x512xf32>,
      %get3A_172 = arith.constant 0 : index
      %get3A_173 = arith.constant 0 : index
      %get3A_174 = vector.load %arg4[%get3A_172, %get3A_173] : memref<512x1024xf32, #tpu.memory_space<vmem>>, vector<64x512xf32>
      %get3A_175 = arith.constant 0 : index
      %get3A_176 = arith.constant 512 : index
      %get3A_177 = vector.load %arg4[%get3A_175, %get3A_176] : memref<512x1024xf32, #tpu.memory_space<vmem>>, vector<64x512xf32>
      %mul3A_178 = vector.broadcast %cos3A_48 : vector<1x512xf32> to vector<64x512xf32>
      %mul3A_179 = arith.mulf %get3A_174, %mul3A_178 : vector<64x512xf32>
      %mul3A_180 = vector.broadcast %sin3A_47 : vector<1x512xf32> to vector<64x512xf32>
      %mul3A_181 = arith.mulf %get3A_177, %mul3A_180 : vector<64x512xf32>
      %add3A_182 = arith.addf %mul3A_179, %mul3A_181 : vector<64x512xf32>
      %swap3A_183 = arith.constant 64 : index
      %swap3A_184 = arith.constant 0 : index
      %swap3A_185 = vector.load %arg4[%swap3A_183, %swap3A_184] : memref<512x1024xf32, #tpu.memory_space<vmem>>, vector<64x512xf32>
      tpu.vector_store %arg4[%swap3A_183, %swap3A_184], %add3A_182 {strides = array<i32>} : memref<512x1024xf32, #tpu.memory_space<vmem>>, vector<64x512xf32>,
      %mul3A_186 = vector.broadcast %cos3A_48 : vector<1x512xf32> to vector<64x512xf32>
      %mul3A_187 = arith.mulf %get3A_177, %mul3A_186 : vector<64x512xf32>
      %mul3A_188 = vector.broadcast %sin3A_47 : vector<1x512xf32> to vector<64x512xf32>
      %mul3A_189 = arith.mulf %get3A_174, %mul3A_188 : vector<64x512xf32>
      %sub3A_190 = arith.subf %mul3A_187, %mul3A_189 : vector<64x512xf32>
      %swap3A_191 = arith.constant 64 : index
      %swap3A_192 = arith.constant 512 : index
      %swap3A_193 = vector.load %arg4[%swap3A_191, %swap3A_192] : memref<512x1024xf32, #tpu.memory_space<vmem>>, vector<64x512xf32>
      tpu.vector_store %arg4[%swap3A_191, %swap3A_192], %sub3A_190 {strides = array<i32>} : memref<512x1024xf32, #tpu.memory_space<vmem>>, vector<64x512xf32>,
      %get3A_194 = arith.constant 0 : index
      %get3A_195 = arith.constant 0 : index
      %get3A_196 = vector.load %arg4[%get3A_194, %get3A_195] : memref<512x1024xf32, #tpu.memory_space<vmem>>, vector<128x512xf32>
      %get3A_197 = arith.constant 0 : index
      %get3A_198 = arith.constant 512 : index
      %get3A_199 = vector.load %arg4[%get3A_197, %get3A_198] : memref<512x1024xf32, #tpu.memory_space<vmem>>, vector<128x512xf32>
      %mul3A_200 = vector.broadcast %cos3A_57 : vector<1x512xf32> to vector<128x512xf32>
      %mul3A_201 = arith.mulf %get3A_196, %mul3A_200 : vector<128x512xf32>
      %mul3A_202 = vector.broadcast %sin3A_56 : vector<1x512xf32> to vector<128x512xf32>
      %mul3A_203 = arith.mulf %get3A_199, %mul3A_202 : vector<128x512xf32>
      %add3A_204 = arith.addf %mul3A_201, %mul3A_203 : vector<128x512xf32>
      %swap3A_205 = arith.constant 128 : index
      %swap3A_206 = arith.constant 0 : index
      %swap3A_207 = vector.load %arg4[%swap3A_205, %swap3A_206] : memref<512x1024xf32, #tpu.memory_space<vmem>>, vector<128x512xf32>
      tpu.vector_store %arg4[%swap3A_205, %swap3A_206], %add3A_204 {strides = array<i32>} : memref<512x1024xf32, #tpu.memory_space<vmem>>, vector<128x512xf32>,
      %mul3A_208 = vector.broadcast %cos3A_57 : vector<1x512xf32> to vector<128x512xf32>
      %mul3A_209 = arith.mulf %get3A_199, %mul3A_208 : vector<128x512xf32>
      %mul3A_210 = vector.broadcast %sin3A_56 : vector<1x512xf32> to vector<128x512xf32>
      %mul3A_211 = arith.mulf %get3A_196, %mul3A_210 : vector<128x512xf32>
      %sub3A_212 = arith.subf %mul3A_209, %mul3A_211 : vector<128x512xf32>
      %swap3A_213 = arith.constant 128 : index
      %swap3A_214 = arith.constant 512 : index
      %swap3A_215 = vector.load %arg4[%swap3A_213, %swap3A_214] : memref<512x1024xf32, #tpu.memory_space<vmem>>, vector<128x512xf32>
      tpu.vector_store %arg4[%swap3A_213, %swap3A_214], %sub3A_212 {strides = array<i32>} : memref<512x1024xf32, #tpu.memory_space<vmem>>, vector<128x512xf32>,
      %get3A_216 = arith.constant 0 : index
      %get3A_217 = arith.constant 0 : index
      %get3A_218 = vector.load %arg4[%get3A_216, %get3A_217] : memref<512x1024xf32, #tpu.memory_space<vmem>>, vector<256x512xf32>
      %get3A_219 = arith.constant 0 : index
      %get3A_220 = arith.constant 512 : index
      %get3A_221 = vector.load %arg4[%get3A_219, %get3A_220] : memref<512x1024xf32, #tpu.memory_space<vmem>>, vector<256x512xf32>
      %mul3A_222 = vector.broadcast %cos3A_66 : vector<1x512xf32> to vector<256x512xf32>
      %mul3A_223 = arith.mulf %get3A_218, %mul3A_222 : vector<256x512xf32>
      %mul3A_224 = vector.broadcast %sin3A_65 : vector<1x512xf32> to vector<256x512xf32>
      %mul3A_225 = arith.mulf %get3A_221, %mul3A_224 : vector<256x512xf32>
      %add3A_226 = arith.addf %mul3A_223, %mul3A_225 : vector<256x512xf32>
      %swap3A_227 = arith.constant 256 : index
      %swap3A_228 = arith.constant 0 : index
      %swap3A_229 = vector.load %arg4[%swap3A_227, %swap3A_228] : memref<512x1024xf32, #tpu.memory_space<vmem>>, vector<256x512xf32>
      tpu.vector_store %arg4[%swap3A_227, %swap3A_228], %add3A_226 {strides = array<i32>} : memref<512x1024xf32, #tpu.memory_space<vmem>>, vector<256x512xf32>,
      %mul3A_230 = vector.broadcast %cos3A_66 : vector<1x512xf32> to vector<256x512xf32>
      %mul3A_231 = arith.mulf %get3A_221, %mul3A_230 : vector<256x512xf32>
      %mul3A_232 = vector.broadcast %sin3A_65 : vector<1x512xf32> to vector<256x512xf32>
      %mul3A_233 = arith.mulf %get3A_218, %mul3A_232 : vector<256x512xf32>
      %sub3A_234 = arith.subf %mul3A_231, %mul3A_233 : vector<256x512xf32>
      %swap3A_235 = arith.constant 256 : index
      %swap3A_236 = arith.constant 512 : index
      %swap3A_237 = vector.load %arg4[%swap3A_235, %swap3A_236] : memref<512x1024xf32, #tpu.memory_space<vmem>>, vector<256x512xf32>
      tpu.vector_store %arg4[%swap3A_235, %swap3A_236], %sub3A_234 {strides = array<i32>} : memref<512x1024xf32, #tpu.memory_space<vmem>>, vector<256x512xf32>,
    } else {
    }
    %ge3A_78 = arith.constant 12 : i32
    %ge3A_79 = arith.cmpi sge, %arg0, %ge3A_78 : i32
    %lt3A_80 = arith.constant 14 : i32
    %lt3A_81 = arith.cmpi slt, %arg0, %lt3A_80 : i32
    %and3A_82 = arith.andi %ge3A_79, %lt3A_81 : i1
    %convert_element_type3A_83 = arith.extui %and3A_82 : i1 to i32
    %cond3A_84 = arith.constant 0 : i32
    %cond3A_85 = arith.cmpi ne, %convert_element_type3A_83, %cond3A_84 : i32
    scf.if %cond3A_85 {
      %swap3A = arith.constant 0 : index
      %swap3A_102 = arith.constant 0 : index
      %swap3A_103 = vector.load %arg5[%swap3A, %swap3A_102] : memref<512x1024xf32, #tpu.memory_space<vmem>>, vector<8x512xf32>
      tpu.vector_store %arg5[%swap3A, %swap3A_102], %sin3A {strides = array<i32>} : memref<512x1024xf32, #tpu.memory_space<vmem>>, vector<8x512xf32>,
      %swap3A_104 = arith.constant 0 : index
      %swap3A_105 = arith.constant 512 : index
      %swap3A_106 = vector.load %arg5[%swap3A_104, %swap3A_105] : memref<512x1024xf32, #tpu.memory_space<vmem>>, vector<8x512xf32>
      tpu.vector_store %arg5[%swap3A_104, %swap3A_105], %cos3A {strides = array<i32>} : memref<512x1024xf32, #tpu.memory_space<vmem>>, vector<8x512xf32>,
      %get3A_107 = arith.constant 0 : index
      %get3A_108 = arith.constant 0 : index
      %get3A_109 = vector.load %arg5[%get3A_107, %get3A_108] : memref<512x1024xf32, #tpu.memory_space<vmem>>, vector<8x512xf32>
      %get3A_110 = arith.constant 0 : index
      %get3A_111 = arith.constant 512 : index
      %get3A_112 = vector.load %arg5[%get3A_110, %get3A_111] : memref<512x1024xf32, #tpu.memory_space<vmem>>, vector<8x512xf32>
      %mul3A_113 = vector.broadcast %cos3A_21 : vector<1x512xf32> to vector<8x512xf32>
      %mul3A_114 = arith.mulf %get3A_109, %mul3A_113 : vector<8x512xf32>
      %mul3A_115 = vector.broadcast %sin3A_20 : vector<1x512xf32> to vector<8x512xf32>
      %mul3A_116 = arith.mulf %get3A_112, %mul3A_115 : vector<8x512xf32>
      %add3A = arith.addf %mul3A_114, %mul3A_116 : vector<8x512xf32>
      %swap3A_117 = arith.constant 8 : index
      %swap3A_118 = arith.constant 0 : index
      %swap3A_119 = vector.load %arg5[%swap3A_117, %swap3A_118] : memref<512x1024xf32, #tpu.memory_space<vmem>>, vector<8x512xf32>
      tpu.vector_store %arg5[%swap3A_117, %swap3A_118], %add3A {strides = array<i32>} : memref<512x1024xf32, #tpu.memory_space<vmem>>, vector<8x512xf32>,
      %mul3A_120 = vector.broadcast %cos3A_21 : vector<1x512xf32> to vector<8x512xf32>
      %mul3A_121 = arith.mulf %get3A_112, %mul3A_120 : vector<8x512xf32>
      %mul3A_122 = vector.broadcast %sin3A_20 : vector<1x512xf32> to vector<8x512xf32>
      %mul3A_123 = arith.mulf %get3A_109, %mul3A_122 : vector<8x512xf32>
      %sub3A_124 = arith.subf %mul3A_121, %mul3A_123 : vector<8x512xf32>
      %swap3A_125 = arith.constant 8 : index
      %swap3A_126 = arith.constant 512 : index
      %swap3A_127 = vector.load %arg5[%swap3A_125, %swap3A_126] : memref<512x1024xf32, #tpu.memory_space<vmem>>, vector<8x512xf32>
      tpu.vector_store %arg5[%swap3A_125, %swap3A_126], %sub3A_124 {strides = array<i32>} : memref<512x1024xf32, #tpu.memory_space<vmem>>, vector<8x512xf32>,
      %get3A_128 = arith.constant 0 : index
      %get3A_129 = arith.constant 0 : index
      %get3A_130 = vector.load %arg5[%get3A_128, %get3A_129] : memref<512x1024xf32, #tpu.memory_space<vmem>>, vector<16x512xf32>
      %get3A_131 = arith.constant 0 : index
      %get3A_132 = arith.constant 512 : index
      %get3A_133 = vector.load %arg5[%get3A_131, %get3A_132] : memref<512x1024xf32, #tpu.memory_space<vmem>>, vector<16x512xf32>
      %mul3A_134 = vector.broadcast %cos3A_30 : vector<1x512xf32> to vector<16x512xf32>
      %mul3A_135 = arith.mulf %get3A_130, %mul3A_134 : vector<16x512xf32>
      %mul3A_136 = vector.broadcast %sin3A_29 : vector<1x512xf32> to vector<16x512xf32>
      %mul3A_137 = arith.mulf %get3A_133, %mul3A_136 : vector<16x512xf32>
      %add3A_138 = arith.addf %mul3A_135, %mul3A_137 : vector<16x512xf32>
      %swap3A_139 = arith.constant 16 : index
      %swap3A_140 = arith.constant 0 : index
      %swap3A_141 = vector.load %arg5[%swap3A_139, %swap3A_140] : memref<512x1024xf32, #tpu.memory_space<vmem>>, vector<16x512xf32>
      tpu.vector_store %arg5[%swap3A_139, %swap3A_140], %add3A_138 {strides = array<i32>} : memref<512x1024xf32, #tpu.memory_space<vmem>>, vector<16x512xf32>,
      %mul3A_142 = vector.broadcast %cos3A_30 : vector<1x512xf32> to vector<16x512xf32>
      %mul3A_143 = arith.mulf %get3A_133, %mul3A_142 : vector<16x512xf32>
      %mul3A_144 = vector.broadcast %sin3A_29 : vector<1x512xf32> to vector<16x512xf32>
      %mul3A_145 = arith.mulf %get3A_130, %mul3A_144 : vector<16x512xf32>
      %sub3A_146 = arith.subf %mul3A_143, %mul3A_145 : vector<16x512xf32>
      %swap3A_147 = arith.constant 16 : index
      %swap3A_148 = arith.constant 512 : index
      %swap3A_149 = vector.load %arg5[%swap3A_147, %swap3A_148] : memref<512x1024xf32, #tpu.memory_space<vmem>>, vector<16x512xf32>
      tpu.vector_store %arg5[%swap3A_147, %swap3A_148], %sub3A_146 {strides = array<i32>} : memref<512x1024xf32, #tpu.memory_space<vmem>>, vector<16x512xf32>,
      %get3A_150 = arith.constant 0 : index
      %get3A_151 = arith.constant 0 : index
      %get3A_152 = vector.load %arg5[%get3A_150, %get3A_151] : memref<512x1024xf32, #tpu.memory_space<vmem>>, vector<32x512xf32>
      %get3A_153 = arith.constant 0 : index
      %get3A_154 = arith.constant 512 : index
      %get3A_155 = vector.load %arg5[%get3A_153, %get3A_154] : memref<512x1024xf32, #tpu.memory_space<vmem>>, vector<32x512xf32>
      %mul3A_156 = vector.broadcast %cos3A_39 : vector<1x512xf32> to vector<32x512xf32>
      %mul3A_157 = arith.mulf %get3A_152, %mul3A_156 : vector<32x512xf32>
      %mul3A_158 = vector.broadcast %sin3A_38 : vector<1x512xf32> to vector<32x512xf32>
      %mul3A_159 = arith.mulf %get3A_155, %mul3A_158 : vector<32x512xf32>
      %add3A_160 = arith.addf %mul3A_157, %mul3A_159 : vector<32x512xf32>
      %swap3A_161 = arith.constant 32 : index
      %swap3A_162 = arith.constant 0 : index
      %swap3A_163 = vector.load %arg5[%swap3A_161, %swap3A_162] : memref<512x1024xf32, #tpu.memory_space<vmem>>, vector<32x512xf32>
      tpu.vector_store %arg5[%swap3A_161, %swap3A_162], %add3A_160 {strides = array<i32>} : memref<512x1024xf32, #tpu.memory_space<vmem>>, vector<32x512xf32>,
      %mul3A_164 = vector.broadcast %cos3A_39 : vector<1x512xf32> to vector<32x512xf32>
      %mul3A_165 = arith.mulf %get3A_155, %mul3A_164 : vector<32x512xf32>
      %mul3A_166 = vector.broadcast %sin3A_38 : vector<1x512xf32> to vector<32x512xf32>
      %mul3A_167 = arith.mulf %get3A_152, %mul3A_166 : vector<32x512xf32>
      %sub3A_168 = arith.subf %mul3A_165, %mul3A_167 : vector<32x512xf32>
      %swap3A_169 = arith.constant 32 : index
      %swap3A_170 = arith.constant 512 : index
      %swap3A_171 = vector.load %arg5[%swap3A_169, %swap3A_170] : memref<512x1024xf32, #tpu.memory_space<vmem>>, vector<32x512xf32>
      tpu.vector_store %arg5[%swap3A_169, %swap3A_170], %sub3A_168 {strides = array<i32>} : memref<512x1024xf32, #tpu.memory_space<vmem>>, vector<32x512xf32>,
      %get3A_172 = arith.constant 0 : index
      %get3A_173 = arith.constant 0 : index
      %get3A_174 = vector.load %arg5[%get3A_172, %get3A_173] : memref<512x1024xf32, #tpu.memory_space<vmem>>, vector<64x512xf32>
      %get3A_175 = arith.constant 0 : index
      %get3A_176 = arith.constant 512 : index
      %get3A_177 = vector.load %arg5[%get3A_175, %get3A_176] : memref<512x1024xf32, #tpu.memory_space<vmem>>, vector<64x512xf32>
      %mul3A_178 = vector.broadcast %cos3A_48 : vector<1x512xf32> to vector<64x512xf32>
      %mul3A_179 = arith.mulf %get3A_174, %mul3A_178 : vector<64x512xf32>
      %mul3A_180 = vector.broadcast %sin3A_47 : vector<1x512xf32> to vector<64x512xf32>
      %mul3A_181 = arith.mulf %get3A_177, %mul3A_180 : vector<64x512xf32>
      %add3A_182 = arith.addf %mul3A_179, %mul3A_181 : vector<64x512xf32>
      %swap3A_183 = arith.constant 64 : index
      %swap3A_184 = arith.constant 0 : index
      %swap3A_185 = vector.load %arg5[%swap3A_183, %swap3A_184] : memref<512x1024xf32, #tpu.memory_space<vmem>>, vector<64x512xf32>
      tpu.vector_store %arg5[%swap3A_183, %swap3A_184], %add3A_182 {strides = array<i32>} : memref<512x1024xf32, #tpu.memory_space<vmem>>, vector<64x512xf32>,
      %mul3A_186 = vector.broadcast %cos3A_48 : vector<1x512xf32> to vector<64x512xf32>
      %mul3A_187 = arith.mulf %get3A_177, %mul3A_186 : vector<64x512xf32>
      %mul3A_188 = vector.broadcast %sin3A_47 : vector<1x512xf32> to vector<64x512xf32>
      %mul3A_189 = arith.mulf %get3A_174, %mul3A_188 : vector<64x512xf32>
      %sub3A_190 = arith.subf %mul3A_187, %mul3A_189 : vector<64x512xf32>
      %swap3A_191 = arith.constant 64 : index
      %swap3A_192 = arith.constant 512 : index
      %swap3A_193 = vector.load %arg5[%swap3A_191, %swap3A_192] : memref<512x1024xf32, #tpu.memory_space<vmem>>, vector<64x512xf32>
      tpu.vector_store %arg5[%swap3A_191, %swap3A_192], %sub3A_190 {strides = array<i32>} : memref<512x1024xf32, #tpu.memory_space<vmem>>, vector<64x512xf32>,
      %get3A_194 = arith.constant 0 : index
      %get3A_195 = arith.constant 0 : index
      %get3A_196 = vector.load %arg5[%get3A_194, %get3A_195] : memref<512x1024xf32, #tpu.memory_space<vmem>>, vector<128x512xf32>
      %get3A_197 = arith.constant 0 : index
      %get3A_198 = arith.constant 512 : index
      %get3A_199 = vector.load %arg5[%get3A_197, %get3A_198] : memref<512x1024xf32, #tpu.memory_space<vmem>>, vector<128x512xf32>
      %mul3A_200 = vector.broadcast %cos3A_57 : vector<1x512xf32> to vector<128x512xf32>
      %mul3A_201 = arith.mulf %get3A_196, %mul3A_200 : vector<128x512xf32>
      %mul3A_202 = vector.broadcast %sin3A_56 : vector<1x512xf32> to vector<128x512xf32>
      %mul3A_203 = arith.mulf %get3A_199, %mul3A_202 : vector<128x512xf32>
      %add3A_204 = arith.addf %mul3A_201, %mul3A_203 : vector<128x512xf32>
      %swap3A_205 = arith.constant 128 : index
      %swap3A_206 = arith.constant 0 : index
      %swap3A_207 = vector.load %arg5[%swap3A_205, %swap3A_206] : memref<512x1024xf32, #tpu.memory_space<vmem>>, vector<128x512xf32>
      tpu.vector_store %arg5[%swap3A_205, %swap3A_206], %add3A_204 {strides = array<i32>} : memref<512x1024xf32, #tpu.memory_space<vmem>>, vector<128x512xf32>,
      %mul3A_208 = vector.broadcast %cos3A_57 : vector<1x512xf32> to vector<128x512xf32>
      %mul3A_209 = arith.mulf %get3A_199, %mul3A_208 : vector<128x512xf32>
      %mul3A_210 = vector.broadcast %sin3A_56 : vector<1x512xf32> to vector<128x512xf32>
      %mul3A_211 = arith.mulf %get3A_196, %mul3A_210 : vector<128x512xf32>
      %sub3A_212 = arith.subf %mul3A_209, %mul3A_211 : vector<128x512xf32>
      %swap3A_213 = arith.constant 128 : index
      %swap3A_214 = arith.constant 512 : index
      %swap3A_215 = vector.load %arg5[%swap3A_213, %swap3A_214] : memref<512x1024xf32, #tpu.memory_space<vmem>>, vector<128x512xf32>
      tpu.vector_store %arg5[%swap3A_213, %swap3A_214], %sub3A_212 {strides = array<i32>} : memref<512x1024xf32, #tpu.memory_space<vmem>>, vector<128x512xf32>,
      %get3A_216 = arith.constant 0 : index
      %get3A_217 = arith.constant 0 : index
      %get3A_218 = vector.load %arg5[%get3A_216, %get3A_217] : memref<512x1024xf32, #tpu.memory_space<vmem>>, vector<256x512xf32>
      %get3A_219 = arith.constant 0 : index
      %get3A_220 = arith.constant 512 : index
      %get3A_221 = vector.load %arg5[%get3A_219, %get3A_220] : memref<512x1024xf32, #tpu.memory_space<vmem>>, vector<256x512xf32>
      %mul3A_222 = vector.broadcast %cos3A_66 : vector<1x512xf32> to vector<256x512xf32>
      %mul3A_223 = arith.mulf %get3A_218, %mul3A_222 : vector<256x512xf32>
      %mul3A_224 = vector.broadcast %sin3A_65 : vector<1x512xf32> to vector<256x512xf32>
      %mul3A_225 = arith.mulf %get3A_221, %mul3A_224 : vector<256x512xf32>
      %add3A_226 = arith.addf %mul3A_223, %mul3A_225 : vector<256x512xf32>
      %swap3A_227 = arith.constant 256 : index
      %swap3A_228 = arith.constant 0 : index
      %swap3A_229 = vector.load %arg5[%swap3A_227, %swap3A_228] : memref<512x1024xf32, #tpu.memory_space<vmem>>, vector<256x512xf32>
      tpu.vector_store %arg5[%swap3A_227, %swap3A_228], %add3A_226 {strides = array<i32>} : memref<512x1024xf32, #tpu.memory_space<vmem>>, vector<256x512xf32>,
      %mul3A_230 = vector.broadcast %cos3A_66 : vector<1x512xf32> to vector<256x512xf32>
      %mul3A_231 = arith.mulf %get3A_221, %mul3A_230 : vector<256x512xf32>
      %mul3A_232 = vector.broadcast %sin3A_65 : vector<1x512xf32> to vector<256x512xf32>
      %mul3A_233 = arith.mulf %get3A_218, %mul3A_232 : vector<256x512xf32>
      %sub3A_234 = arith.subf %mul3A_231, %mul3A_233 : vector<256x512xf32>
      %swap3A_235 = arith.constant 256 : index
      %swap3A_236 = arith.constant 512 : index
      %swap3A_237 = vector.load %arg5[%swap3A_235, %swap3A_236] : memref<512x1024xf32, #tpu.memory_space<vmem>>, vector<256x512xf32>
      tpu.vector_store %arg5[%swap3A_235, %swap3A_236], %sub3A_234 {strides = array<i32>} : memref<512x1024xf32, #tpu.memory_space<vmem>>, vector<256x512xf32>,
    } else {
    }
    %ge3A_86 = arith.constant 14 : i32
    %ge3A_87 = arith.cmpi sge, %arg0, %ge3A_86 : i32
    %lt3A_88 = arith.constant 15 : i32
    %lt3A_89 = arith.cmpi slt, %arg0, %lt3A_88 : i32
    %and3A_90 = arith.andi %ge3A_87, %lt3A_89 : i1
    %convert_element_type3A_91 = arith.extui %and3A_90 : i1 to i32
    %cond3A_92 = arith.constant 0 : i32
    %cond3A_93 = arith.cmpi ne, %convert_element_type3A_91, %cond3A_92 : i32
    scf.if %cond3A_93 {
      %swap3A = arith.constant 0 : index
      %swap3A_102 = arith.constant 0 : index
      %swap3A_103 = vector.load %arg6[%swap3A, %swap3A_102] : memref<512x1024xf32, #tpu.memory_space<vmem>>, vector<8x512xf32>
      tpu.vector_store %arg6[%swap3A, %swap3A_102], %sin3A {strides = array<i32>} : memref<512x1024xf32, #tpu.memory_space<vmem>>, vector<8x512xf32>,
      %swap3A_104 = arith.constant 0 : index
      %swap3A_105 = arith.constant 512 : index
      %swap3A_106 = vector.load %arg6[%swap3A_104, %swap3A_105] : memref<512x1024xf32, #tpu.memory_space<vmem>>, vector<8x512xf32>
      tpu.vector_store %arg6[%swap3A_104, %swap3A_105], %cos3A {strides = array<i32>} : memref<512x1024xf32, #tpu.memory_space<vmem>>, vector<8x512xf32>,
      %get3A_107 = arith.constant 0 : index
      %get3A_108 = arith.constant 0 : index
      %get3A_109 = vector.load %arg6[%get3A_107, %get3A_108] : memref<512x1024xf32, #tpu.memory_space<vmem>>, vector<8x512xf32>
      %get3A_110 = arith.constant 0 : index
      %get3A_111 = arith.constant 512 : index
      %get3A_112 = vector.load %arg6[%get3A_110, %get3A_111] : memref<512x1024xf32, #tpu.memory_space<vmem>>, vector<8x512xf32>
      %mul3A_113 = vector.broadcast %cos3A_21 : vector<1x512xf32> to vector<8x512xf32>
      %mul3A_114 = arith.mulf %get3A_109, %mul3A_113 : vector<8x512xf32>
      %mul3A_115 = vector.broadcast %sin3A_20 : vector<1x512xf32> to vector<8x512xf32>
      %mul3A_116 = arith.mulf %get3A_112, %mul3A_115 : vector<8x512xf32>
      %add3A = arith.addf %mul3A_114, %mul3A_116 : vector<8x512xf32>
      %swap3A_117 = arith.constant 8 : index
      %swap3A_118 = arith.constant 0 : index
      %swap3A_119 = vector.load %arg6[%swap3A_117, %swap3A_118] : memref<512x1024xf32, #tpu.memory_space<vmem>>, vector<8x512xf32>
      tpu.vector_store %arg6[%swap3A_117, %swap3A_118], %add3A {strides = array<i32>} : memref<512x1024xf32, #tpu.memory_space<vmem>>, vector<8x512xf32>,
      %mul3A_120 = vector.broadcast %cos3A_21 : vector<1x512xf32> to vector<8x512xf32>
      %mul3A_121 = arith.mulf %get3A_112, %mul3A_120 : vector<8x512xf32>
      %mul3A_122 = vector.broadcast %sin3A_20 : vector<1x512xf32> to vector<8x512xf32>
      %mul3A_123 = arith.mulf %get3A_109, %mul3A_122 : vector<8x512xf32>
      %sub3A_124 = arith.subf %mul3A_121, %mul3A_123 : vector<8x512xf32>
      %swap3A_125 = arith.constant 8 : index
      %swap3A_126 = arith.constant 512 : index
      %swap3A_127 = vector.load %arg6[%swap3A_125, %swap3A_126] : memref<512x1024xf32, #tpu.memory_space<vmem>>, vector<8x512xf32>
      tpu.vector_store %arg6[%swap3A_125, %swap3A_126], %sub3A_124 {strides = array<i32>} : memref<512x1024xf32, #tpu.memory_space<vmem>>, vector<8x512xf32>,
      %get3A_128 = arith.constant 0 : index
      %get3A_129 = arith.constant 0 : index
      %get3A_130 = vector.load %arg6[%get3A_128, %get3A_129] : memref<512x1024xf32, #tpu.memory_space<vmem>>, vector<16x512xf32>
      %get3A_131 = arith.constant 0 : index
      %get3A_132 = arith.constant 512 : index
      %get3A_133 = vector.load %arg6[%get3A_131, %get3A_132] : memref<512x1024xf32, #tpu.memory_space<vmem>>, vector<16x512xf32>
      %mul3A_134 = vector.broadcast %cos3A_30 : vector<1x512xf32> to vector<16x512xf32>
      %mul3A_135 = arith.mulf %get3A_130, %mul3A_134 : vector<16x512xf32>
      %mul3A_136 = vector.broadcast %sin3A_29 : vector<1x512xf32> to vector<16x512xf32>
      %mul3A_137 = arith.mulf %get3A_133, %mul3A_136 : vector<16x512xf32>
      %add3A_138 = arith.addf %mul3A_135, %mul3A_137 : vector<16x512xf32>
      %swap3A_139 = arith.constant 16 : index
      %swap3A_140 = arith.constant 0 : index
      %swap3A_141 = vector.load %arg6[%swap3A_139, %swap3A_140] : memref<512x1024xf32, #tpu.memory_space<vmem>>, vector<16x512xf32>
      tpu.vector_store %arg6[%swap3A_139, %swap3A_140], %add3A_138 {strides = array<i32>} : memref<512x1024xf32, #tpu.memory_space<vmem>>, vector<16x512xf32>,
      %mul3A_142 = vector.broadcast %cos3A_30 : vector<1x512xf32> to vector<16x512xf32>
      %mul3A_143 = arith.mulf %get3A_133, %mul3A_142 : vector<16x512xf32>
      %mul3A_144 = vector.broadcast %sin3A_29 : vector<1x512xf32> to vector<16x512xf32>
      %mul3A_145 = arith.mulf %get3A_130, %mul3A_144 : vector<16x512xf32>
      %sub3A_146 = arith.subf %mul3A_143, %mul3A_145 : vector<16x512xf32>
      %swap3A_147 = arith.constant 16 : index
      %swap3A_148 = arith.constant 512 : index
      %swap3A_149 = vector.load %arg6[%swap3A_147, %swap3A_148] : memref<512x1024xf32, #tpu.memory_space<vmem>>, vector<16x512xf32>
      tpu.vector_store %arg6[%swap3A_147, %swap3A_148], %sub3A_146 {strides = array<i32>} : memref<512x1024xf32, #tpu.memory_space<vmem>>, vector<16x512xf32>,
      %get3A_150 = arith.constant 0 : index
      %get3A_151 = arith.constant 0 : index
      %get3A_152 = vector.load %arg6[%get3A_150, %get3A_151] : memref<512x1024xf32, #tpu.memory_space<vmem>>, vector<32x512xf32>
      %get3A_153 = arith.constant 0 : index
      %get3A_154 = arith.constant 512 : index
      %get3A_155 = vector.load %arg6[%get3A_153, %get3A_154] : memref<512x1024xf32, #tpu.memory_space<vmem>>, vector<32x512xf32>
      %mul3A_156 = vector.broadcast %cos3A_39 : vector<1x512xf32> to vector<32x512xf32>
      %mul3A_157 = arith.mulf %get3A_152, %mul3A_156 : vector<32x512xf32>
      %mul3A_158 = vector.broadcast %sin3A_38 : vector<1x512xf32> to vector<32x512xf32>
      %mul3A_159 = arith.mulf %get3A_155, %mul3A_158 : vector<32x512xf32>
      %add3A_160 = arith.addf %mul3A_157, %mul3A_159 : vector<32x512xf32>
      %swap3A_161 = arith.constant 32 : index
      %swap3A_162 = arith.constant 0 : index
      %swap3A_163 = vector.load %arg6[%swap3A_161, %swap3A_162] : memref<512x1024xf32, #tpu.memory_space<vmem>>, vector<32x512xf32>
      tpu.vector_store %arg6[%swap3A_161, %swap3A_162], %add3A_160 {strides = array<i32>} : memref<512x1024xf32, #tpu.memory_space<vmem>>, vector<32x512xf32>,
      %mul3A_164 = vector.broadcast %cos3A_39 : vector<1x512xf32> to vector<32x512xf32>
      %mul3A_165 = arith.mulf %get3A_155, %mul3A_164 : vector<32x512xf32>
      %mul3A_166 = vector.broadcast %sin3A_38 : vector<1x512xf32> to vector<32x512xf32>
      %mul3A_167 = arith.mulf %get3A_152, %mul3A_166 : vector<32x512xf32>
      %sub3A_168 = arith.subf %mul3A_165, %mul3A_167 : vector<32x512xf32>
      %swap3A_169 = arith.constant 32 : index
      %swap3A_170 = arith.constant 512 : index
      %swap3A_171 = vector.load %arg6[%swap3A_169, %swap3A_170] : memref<512x1024xf32, #tpu.memory_space<vmem>>, vector<32x512xf32>
      tpu.vector_store %arg6[%swap3A_169, %swap3A_170], %sub3A_168 {strides = array<i32>} : memref<512x1024xf32, #tpu.memory_space<vmem>>, vector<32x512xf32>,
      %get3A_172 = arith.constant 0 : index
      %get3A_173 = arith.constant 0 : index
      %get3A_174 = vector.load %arg6[%get3A_172, %get3A_173] : memref<512x1024xf32, #tpu.memory_space<vmem>>, vector<64x512xf32>
      %get3A_175 = arith.constant 0 : index
      %get3A_176 = arith.constant 512 : index
      %get3A_177 = vector.load %arg6[%get3A_175, %get3A_176] : memref<512x1024xf32, #tpu.memory_space<vmem>>, vector<64x512xf32>
      %mul3A_178 = vector.broadcast %cos3A_48 : vector<1x512xf32> to vector<64x512xf32>
      %mul3A_179 = arith.mulf %get3A_174, %mul3A_178 : vector<64x512xf32>
      %mul3A_180 = vector.broadcast %sin3A_47 : vector<1x512xf32> to vector<64x512xf32>
      %mul3A_181 = arith.mulf %get3A_177, %mul3A_180 : vector<64x512xf32>
      %add3A_182 = arith.addf %mul3A_179, %mul3A_181 : vector<64x512xf32>
      %swap3A_183 = arith.constant 64 : index
      %swap3A_184 = arith.constant 0 : index
      %swap3A_185 = vector.load %arg6[%swap3A_183, %swap3A_184] : memref<512x1024xf32, #tpu.memory_space<vmem>>, vector<64x512xf32>
      tpu.vector_store %arg6[%swap3A_183, %swap3A_184], %add3A_182 {strides = array<i32>} : memref<512x1024xf32, #tpu.memory_space<vmem>>, vector<64x512xf32>,
      %mul3A_186 = vector.broadcast %cos3A_48 : vector<1x512xf32> to vector<64x512xf32>
      %mul3A_187 = arith.mulf %get3A_177, %mul3A_186 : vector<64x512xf32>
      %mul3A_188 = vector.broadcast %sin3A_47 : vector<1x512xf32> to vector<64x512xf32>
      %mul3A_189 = arith.mulf %get3A_174, %mul3A_188 : vector<64x512xf32>
      %sub3A_190 = arith.subf %mul3A_187, %mul3A_189 : vector<64x512xf32>
      %swap3A_191 = arith.constant 64 : index
      %swap3A_192 = arith.constant 512 : index
      %swap3A_193 = vector.load %arg6[%swap3A_191, %swap3A_192] : memref<512x1024xf32, #tpu.memory_space<vmem>>, vector<64x512xf32>
      tpu.vector_store %arg6[%swap3A_191, %swap3A_192], %sub3A_190 {strides = array<i32>} : memref<512x1024xf32, #tpu.memory_space<vmem>>, vector<64x512xf32>,
      %get3A_194 = arith.constant 0 : index
      %get3A_195 = arith.constant 0 : index
      %get3A_196 = vector.load %arg6[%get3A_194, %get3A_195] : memref<512x1024xf32, #tpu.memory_space<vmem>>, vector<128x512xf32>
      %get3A_197 = arith.constant 0 : index
      %get3A_198 = arith.constant 512 : index
      %get3A_199 = vector.load %arg6[%get3A_197, %get3A_198] : memref<512x1024xf32, #tpu.memory_space<vmem>>, vector<128x512xf32>
      %mul3A_200 = vector.broadcast %cos3A_57 : vector<1x512xf32> to vector<128x512xf32>
      %mul3A_201 = arith.mulf %get3A_196, %mul3A_200 : vector<128x512xf32>
      %mul3A_202 = vector.broadcast %sin3A_56 : vector<1x512xf32> to vector<128x512xf32>
      %mul3A_203 = arith.mulf %get3A_199, %mul3A_202 : vector<128x512xf32>
      %add3A_204 = arith.addf %mul3A_201, %mul3A_203 : vector<128x512xf32>
      %swap3A_205 = arith.constant 128 : index
      %swap3A_206 = arith.constant 0 : index
      %swap3A_207 = vector.load %arg6[%swap3A_205, %swap3A_206] : memref<512x1024xf32, #tpu.memory_space<vmem>>, vector<128x512xf32>
      tpu.vector_store %arg6[%swap3A_205, %swap3A_206], %add3A_204 {strides = array<i32>} : memref<512x1024xf32, #tpu.memory_space<vmem>>, vector<128x512xf32>,
      %mul3A_208 = vector.broadcast %cos3A_57 : vector<1x512xf32> to vector<128x512xf32>
      %mul3A_209 = arith.mulf %get3A_199, %mul3A_208 : vector<128x512xf32>
      %mul3A_210 = vector.broadcast %sin3A_56 : vector<1x512xf32> to vector<128x512xf32>
      %mul3A_211 = arith.mulf %get3A_196, %mul3A_210 : vector<128x512xf32>
      %sub3A_212 = arith.subf %mul3A_209, %mul3A_211 : vector<128x512xf32>
      %swap3A_213 = arith.constant 128 : index
      %swap3A_214 = arith.constant 512 : index
      %swap3A_215 = vector.load %arg6[%swap3A_213, %swap3A_214] : memref<512x1024xf32, #tpu.memory_space<vmem>>, vector<128x512xf32>
      tpu.vector_store %arg6[%swap3A_213, %swap3A_214], %sub3A_212 {strides = array<i32>} : memref<512x1024xf32, #tpu.memory_space<vmem>>, vector<128x512xf32>,
      %get3A_216 = arith.constant 0 : index
      %get3A_217 = arith.constant 0 : index
      %get3A_218 = vector.load %arg6[%get3A_216, %get3A_217] : memref<512x1024xf32, #tpu.memory_space<vmem>>, vector<256x512xf32>
      %get3A_219 = arith.constant 0 : index
      %get3A_220 = arith.constant 512 : index
      %get3A_221 = vector.load %arg6[%get3A_219, %get3A_220] : memref<512x1024xf32, #tpu.memory_space<vmem>>, vector<256x512xf32>
      %mul3A_222 = vector.broadcast %cos3A_66 : vector<1x512xf32> to vector<256x512xf32>
      %mul3A_223 = arith.mulf %get3A_218, %mul3A_222 : vector<256x512xf32>
      %mul3A_224 = vector.broadcast %sin3A_65 : vector<1x512xf32> to vector<256x512xf32>
      %mul3A_225 = arith.mulf %get3A_221, %mul3A_224 : vector<256x512xf32>
      %add3A_226 = arith.addf %mul3A_223, %mul3A_225 : vector<256x512xf32>
      %swap3A_227 = arith.constant 256 : index
      %swap3A_228 = arith.constant 0 : index
      %swap3A_229 = vector.load %arg6[%swap3A_227, %swap3A_228] : memref<512x1024xf32, #tpu.memory_space<vmem>>, vector<256x512xf32>
      tpu.vector_store %arg6[%swap3A_227, %swap3A_228], %add3A_226 {strides = array<i32>} : memref<512x1024xf32, #tpu.memory_space<vmem>>, vector<256x512xf32>,
      %mul3A_230 = vector.broadcast %cos3A_66 : vector<1x512xf32> to vector<256x512xf32>
      %mul3A_231 = arith.mulf %get3A_221, %mul3A_230 : vector<256x512xf32>
      %mul3A_232 = vector.broadcast %sin3A_65 : vector<1x512xf32> to vector<256x512xf32>
      %mul3A_233 = arith.mulf %get3A_218, %mul3A_232 : vector<256x512xf32>
      %sub3A_234 = arith.subf %mul3A_231, %mul3A_233 : vector<256x512xf32>
      %swap3A_235 = arith.constant 256 : index
      %swap3A_236 = arith.constant 512 : index
      %swap3A_237 = vector.load %arg6[%swap3A_235, %swap3A_236] : memref<512x1024xf32, #tpu.memory_space<vmem>>, vector<256x512xf32>
      tpu.vector_store %arg6[%swap3A_235, %swap3A_236], %sub3A_234 {strides = array<i32>} : memref<512x1024xf32, #tpu.memory_space<vmem>>, vector<256x512xf32>,
    } else {
    }
    %ge3A_94 = arith.constant 15 : i32
    %ge3A_95 = arith.cmpi sge, %arg0, %ge3A_94 : i32
    %lt3A_96 = arith.constant 16 : i32
    %lt3A_97 = arith.cmpi slt, %arg0, %lt3A_96 : i32
    %and3A_98 = arith.andi %ge3A_95, %lt3A_97 : i1
    %convert_element_type3A_99 = arith.extui %and3A_98 : i1 to i32
    %cond3A_100 = arith.constant 0 : i32
    %cond3A_101 = arith.cmpi ne, %convert_element_type3A_99, %cond3A_100 : i32
    scf.if %cond3A_101 {
      %swap3A = arith.constant 0 : index
      %swap3A_102 = arith.constant 0 : index
      %swap3A_103 = vector.load %arg7[%swap3A, %swap3A_102] : memref<512x1024xf32, #tpu.memory_space<vmem>>, vector<8x512xf32>
      tpu.vector_store %arg7[%swap3A, %swap3A_102], %sin3A {strides = array<i32>} : memref<512x1024xf32, #tpu.memory_space<vmem>>, vector<8x512xf32>,
      %swap3A_104 = arith.constant 0 : index
      %swap3A_105 = arith.constant 512 : index
      %swap3A_106 = vector.load %arg7[%swap3A_104, %swap3A_105] : memref<512x1024xf32, #tpu.memory_space<vmem>>, vector<8x512xf32>
      tpu.vector_store %arg7[%swap3A_104, %swap3A_105], %cos3A {strides = array<i32>} : memref<512x1024xf32, #tpu.memory_space<vmem>>, vector<8x512xf32>,
      %get3A_107 = arith.constant 0 : index
      %get3A_108 = arith.constant 0 : index
      %get3A_109 = vector.load %arg7[%get3A_107, %get3A_108] : memref<512x1024xf32, #tpu.memory_space<vmem>>, vector<8x512xf32>
      %get3A_110 = arith.constant 0 : index
      %get3A_111 = arith.constant 512 : index
      %get3A_112 = vector.load %arg7[%get3A_110, %get3A_111] : memref<512x1024xf32, #tpu.memory_space<vmem>>, vector<8x512xf32>
      %mul3A_113 = vector.broadcast %cos3A_21 : vector<1x512xf32> to vector<8x512xf32>
      %mul3A_114 = arith.mulf %get3A_109, %mul3A_113 : vector<8x512xf32>
      %mul3A_115 = vector.broadcast %sin3A_20 : vector<1x512xf32> to vector<8x512xf32>
      %mul3A_116 = arith.mulf %get3A_112, %mul3A_115 : vector<8x512xf32>
      %add3A = arith.addf %mul3A_114, %mul3A_116 : vector<8x512xf32>
      %swap3A_117 = arith.constant 8 : index
      %swap3A_118 = arith.constant 0 : index
      %swap3A_119 = vector.load %arg7[%swap3A_117, %swap3A_118] : memref<512x1024xf32, #tpu.memory_space<vmem>>, vector<8x512xf32>
      tpu.vector_store %arg7[%swap3A_117, %swap3A_118], %add3A {strides = array<i32>} : memref<512x1024xf32, #tpu.memory_space<vmem>>, vector<8x512xf32>,
      %mul3A_120 = vector.broadcast %cos3A_21 : vector<1x512xf32> to vector<8x512xf32>
      %mul3A_121 = arith.mulf %get3A_112, %mul3A_120 : vector<8x512xf32>
      %mul3A_122 = vector.broadcast %sin3A_20 : vector<1x512xf32> to vector<8x512xf32>
      %mul3A_123 = arith.mulf %get3A_109, %mul3A_122 : vector<8x512xf32>
      %sub3A_124 = arith.subf %mul3A_121, %mul3A_123 : vector<8x512xf32>
      %swap3A_125 = arith.constant 8 : index
      %swap3A_126 = arith.constant 512 : index
      %swap3A_127 = vector.load %arg7[%swap3A_125, %swap3A_126] : memref<512x1024xf32, #tpu.memory_space<vmem>>, vector<8x512xf32>
      tpu.vector_store %arg7[%swap3A_125, %swap3A_126], %sub3A_124 {strides = array<i32>} : memref<512x1024xf32, #tpu.memory_space<vmem>>, vector<8x512xf32>,
      %get3A_128 = arith.constant 0 : index
      %get3A_129 = arith.constant 0 : index
      %get3A_130 = vector.load %arg7[%get3A_128, %get3A_129] : memref<512x1024xf32, #tpu.memory_space<vmem>>, vector<16x512xf32>
      %get3A_131 = arith.constant 0 : index
      %get3A_132 = arith.constant 512 : index
      %get3A_133 = vector.load %arg7[%get3A_131, %get3A_132] : memref<512x1024xf32, #tpu.memory_space<vmem>>, vector<16x512xf32>
      %mul3A_134 = vector.broadcast %cos3A_30 : vector<1x512xf32> to vector<16x512xf32>
      %mul3A_135 = arith.mulf %get3A_130, %mul3A_134 : vector<16x512xf32>
      %mul3A_136 = vector.broadcast %sin3A_29 : vector<1x512xf32> to vector<16x512xf32>
      %mul3A_137 = arith.mulf %get3A_133, %mul3A_136 : vector<16x512xf32>
      %add3A_138 = arith.addf %mul3A_135, %mul3A_137 : vector<16x512xf32>
      %swap3A_139 = arith.constant 16 : index
      %swap3A_140 = arith.constant 0 : index
      %swap3A_141 = vector.load %arg7[%swap3A_139, %swap3A_140] : memref<512x1024xf32, #tpu.memory_space<vmem>>, vector<16x512xf32>
      tpu.vector_store %arg7[%swap3A_139, %swap3A_140], %add3A_138 {strides = array<i32>} : memref<512x1024xf32, #tpu.memory_space<vmem>>, vector<16x512xf32>,
      %mul3A_142 = vector.broadcast %cos3A_30 : vector<1x512xf32> to vector<16x512xf32>
      %mul3A_143 = arith.mulf %get3A_133, %mul3A_142 : vector<16x512xf32>
      %mul3A_144 = vector.broadcast %sin3A_29 : vector<1x512xf32> to vector<16x512xf32>
      %mul3A_145 = arith.mulf %get3A_130, %mul3A_144 : vector<16x512xf32>
      %sub3A_146 = arith.subf %mul3A_143, %mul3A_145 : vector<16x512xf32>
      %swap3A_147 = arith.constant 16 : index
      %swap3A_148 = arith.constant 512 : index
      %swap3A_149 = vector.load %arg7[%swap3A_147, %swap3A_148] : memref<512x1024xf32, #tpu.memory_space<vmem>>, vector<16x512xf32>
      tpu.vector_store %arg7[%swap3A_147, %swap3A_148], %sub3A_146 {strides = array<i32>} : memref<512x1024xf32, #tpu.memory_space<vmem>>, vector<16x512xf32>,
      %get3A_150 = arith.constant 0 : index
      %get3A_151 = arith.constant 0 : index
      %get3A_152 = vector.load %arg7[%get3A_150, %get3A_151] : memref<512x1024xf32, #tpu.memory_space<vmem>>, vector<32x512xf32>
      %get3A_153 = arith.constant 0 : index
      %get3A_154 = arith.constant 512 : index
      %get3A_155 = vector.load %arg7[%get3A_153, %get3A_154] : memref<512x1024xf32, #tpu.memory_space<vmem>>, vector<32x512xf32>
      %mul3A_156 = vector.broadcast %cos3A_39 : vector<1x512xf32> to vector<32x512xf32>
      %mul3A_157 = arith.mulf %get3A_152, %mul3A_156 : vector<32x512xf32>
      %mul3A_158 = vector.broadcast %sin3A_38 : vector<1x512xf32> to vector<32x512xf32>
      %mul3A_159 = arith.mulf %get3A_155, %mul3A_158 : vector<32x512xf32>
      %add3A_160 = arith.addf %mul3A_157, %mul3A_159 : vector<32x512xf32>
      %swap3A_161 = arith.constant 32 : index
      %swap3A_162 = arith.constant 0 : index
      %swap3A_163 = vector.load %arg7[%swap3A_161, %swap3A_162] : memref<512x1024xf32, #tpu.memory_space<vmem>>, vector<32x512xf32>
      tpu.vector_store %arg7[%swap3A_161, %swap3A_162], %add3A_160 {strides = array<i32>} : memref<512x1024xf32, #tpu.memory_space<vmem>>, vector<32x512xf32>,
      %mul3A_164 = vector.broadcast %cos3A_39 : vector<1x512xf32> to vector<32x512xf32>
      %mul3A_165 = arith.mulf %get3A_155, %mul3A_164 : vector<32x512xf32>
      %mul3A_166 = vector.broadcast %sin3A_38 : vector<1x512xf32> to vector<32x512xf32>
      %mul3A_167 = arith.mulf %get3A_152, %mul3A_166 : vector<32x512xf32>
      %sub3A_168 = arith.subf %mul3A_165, %mul3A_167 : vector<32x512xf32>
      %swap3A_169 = arith.constant 32 : index
      %swap3A_170 = arith.constant 512 : index
      %swap3A_171 = vector.load %arg7[%swap3A_169, %swap3A_170] : memref<512x1024xf32, #tpu.memory_space<vmem>>, vector<32x512xf32>
      tpu.vector_store %arg7[%swap3A_169, %swap3A_170], %sub3A_168 {strides = array<i32>} : memref<512x1024xf32, #tpu.memory_space<vmem>>, vector<32x512xf32>,
      %get3A_172 = arith.constant 0 : index
      %get3A_173 = arith.constant 0 : index
      %get3A_174 = vector.load %arg7[%get3A_172, %get3A_173] : memref<512x1024xf32, #tpu.memory_space<vmem>>, vector<64x512xf32>
      %get3A_175 = arith.constant 0 : index
      %get3A_176 = arith.constant 512 : index
      %get3A_177 = vector.load %arg7[%get3A_175, %get3A_176] : memref<512x1024xf32, #tpu.memory_space<vmem>>, vector<64x512xf32>
      %mul3A_178 = vector.broadcast %cos3A_48 : vector<1x512xf32> to vector<64x512xf32>
      %mul3A_179 = arith.mulf %get3A_174, %mul3A_178 : vector<64x512xf32>
      %mul3A_180 = vector.broadcast %sin3A_47 : vector<1x512xf32> to vector<64x512xf32>
      %mul3A_181 = arith.mulf %get3A_177, %mul3A_180 : vector<64x512xf32>
      %add3A_182 = arith.addf %mul3A_179, %mul3A_181 : vector<64x512xf32>
      %swap3A_183 = arith.constant 64 : index
      %swap3A_184 = arith.constant 0 : index
      %swap3A_185 = vector.load %arg7[%swap3A_183, %swap3A_184] : memref<512x1024xf32, #tpu.memory_space<vmem>>, vector<64x512xf32>
      tpu.vector_store %arg7[%swap3A_183, %swap3A_184], %add3A_182 {strides = array<i32>} : memref<512x1024xf32, #tpu.memory_space<vmem>>, vector<64x512xf32>,
      %mul3A_186 = vector.broadcast %cos3A_48 : vector<1x512xf32> to vector<64x512xf32>
      %mul3A_187 = arith.mulf %get3A_177, %mul3A_186 : vector<64x512xf32>
      %mul3A_188 = vector.broadcast %sin3A_47 : vector<1x512xf32> to vector<64x512xf32>
      %mul3A_189 = arith.mulf %get3A_174, %mul3A_188 : vector<64x512xf32>
      %sub3A_190 = arith.subf %mul3A_187, %mul3A_189 : vector<64x512xf32>
      %swap3A_191 = arith.constant 64 : index
      %swap3A_192 = arith.constant 512 : index
      %swap3A_193 = vector.load %arg7[%swap3A_191, %swap3A_192] : memref<512x1024xf32, #tpu.memory_space<vmem>>, vector<64x512xf32>
      tpu.vector_store %arg7[%swap3A_191, %swap3A_192], %sub3A_190 {strides = array<i32>} : memref<512x1024xf32, #tpu.memory_space<vmem>>, vector<64x512xf32>,
      %get3A_194 = arith.constant 0 : index
      %get3A_195 = arith.constant 0 : index
      %get3A_196 = vector.load %arg7[%get3A_194, %get3A_195] : memref<512x1024xf32, #tpu.memory_space<vmem>>, vector<128x512xf32>
      %get3A_197 = arith.constant 0 : index
      %get3A_198 = arith.constant 512 : index
      %get3A_199 = vector.load %arg7[%get3A_197, %get3A_198] : memref<512x1024xf32, #tpu.memory_space<vmem>>, vector<128x512xf32>
      %mul3A_200 = vector.broadcast %cos3A_57 : vector<1x512xf32> to vector<128x512xf32>
      %mul3A_201 = arith.mulf %get3A_196, %mul3A_200 : vector<128x512xf32>
      %mul3A_202 = vector.broadcast %sin3A_56 : vector<1x512xf32> to vector<128x512xf32>
      %mul3A_203 = arith.mulf %get3A_199, %mul3A_202 : vector<128x512xf32>
      %add3A_204 = arith.addf %mul3A_201, %mul3A_203 : vector<128x512xf32>
      %swap3A_205 = arith.constant 128 : index
      %swap3A_206 = arith.constant 0 : index
      %swap3A_207 = vector.load %arg7[%swap3A_205, %swap3A_206] : memref<512x1024xf32, #tpu.memory_space<vmem>>, vector<128x512xf32>
      tpu.vector_store %arg7[%swap3A_205, %swap3A_206], %add3A_204 {strides = array<i32>} : memref<512x1024xf32, #tpu.memory_space<vmem>>, vector<128x512xf32>,
      %mul3A_208 = vector.broadcast %cos3A_57 : vector<1x512xf32> to vector<128x512xf32>
      %mul3A_209 = arith.mulf %get3A_199, %mul3A_208 : vector<128x512xf32>
      %mul3A_210 = vector.broadcast %sin3A_56 : vector<1x512xf32> to vector<128x512xf32>
      %mul3A_211 = arith.mulf %get3A_196, %mul3A_210 : vector<128x512xf32>
      %sub3A_212 = arith.subf %mul3A_209, %mul3A_211 : vector<128x512xf32>
      %swap3A_213 = arith.constant 128 : index
      %swap3A_214 = arith.constant 512 : index
      %swap3A_215 = vector.load %arg7[%swap3A_213, %swap3A_214] : memref<512x1024xf32, #tpu.memory_space<vmem>>, vector<128x512xf32>
      tpu.vector_store %arg7[%swap3A_213, %swap3A_214], %sub3A_212 {strides = array<i32>} : memref<512x1024xf32, #tpu.memory_space<vmem>>, vector<128x512xf32>,
      %get3A_216 = arith.constant 0 : index
      %get3A_217 = arith.constant 0 : index
      %get3A_218 = vector.load %arg7[%get3A_216, %get3A_217] : memref<512x1024xf32, #tpu.memory_space<vmem>>, vector<256x512xf32>
      %get3A_219 = arith.constant 0 : index
      %get3A_220 = arith.constant 512 : index
      %get3A_221 = vector.load %arg7[%get3A_219, %get3A_220] : memref<512x1024xf32, #tpu.memory_space<vmem>>, vector<256x512xf32>
      %mul3A_222 = vector.broadcast %cos3A_66 : vector<1x512xf32> to vector<256x512xf32>
      %mul3A_223 = arith.mulf %get3A_218, %mul3A_222 : vector<256x512xf32>
      %mul3A_224 = vector.broadcast %sin3A_65 : vector<1x512xf32> to vector<256x512xf32>
      %mul3A_225 = arith.mulf %get3A_221, %mul3A_224 : vector<256x512xf32>
      %add3A_226 = arith.addf %mul3A_223, %mul3A_225 : vector<256x512xf32>
      %swap3A_227 = arith.constant 256 : index
      %swap3A_228 = arith.constant 0 : index
      %swap3A_229 = vector.load %arg7[%swap3A_227, %swap3A_228] : memref<512x1024xf32, #tpu.memory_space<vmem>>, vector<256x512xf32>
      tpu.vector_store %arg7[%swap3A_227, %swap3A_228], %add3A_226 {strides = array<i32>} : memref<512x1024xf32, #tpu.memory_space<vmem>>, vector<256x512xf32>,
      %mul3A_230 = vector.broadcast %cos3A_66 : vector<1x512xf32> to vector<256x512xf32>
      %mul3A_231 = arith.mulf %get3A_221, %mul3A_230 : vector<256x512xf32>
      %mul3A_232 = vector.broadcast %sin3A_65 : vector<1x512xf32> to vector<256x512xf32>
      %mul3A_233 = arith.mulf %get3A_218, %mul3A_232 : vector<256x512xf32>
      %sub3A_234 = arith.subf %mul3A_231, %mul3A_233 : vector<256x512xf32>
      %swap3A_235 = arith.constant 256 : index
      %swap3A_236 = arith.constant 512 : index
      %swap3A_237 = vector.load %arg7[%swap3A_235, %swap3A_236] : memref<512x1024xf32, #tpu.memory_space<vmem>>, vector<256x512xf32>
      tpu.vector_store %arg7[%swap3A_235, %swap3A_236], %sub3A_234 {strides = array<i32>} : memref<512x1024xf32, #tpu.memory_space<vmem>>, vector<256x512xf32>,
    } else {
    }
    return
  }
  func.func @transform_0(%arg0: i32) -> (i32, i32, i32) {
    %c0_i32 = arith.constant 0 : i32
    %c0_i32_0 = arith.constant 0 : i32
    %c0_i32_1 = arith.constant 0 : i32
    return %arg0, %c0_i32, %c0_i32_0 : i32, i32, i32
  }
  func.func @transform_1(%arg0: i32) -> (i32, i32) {
    %c0_i32 = arith.constant 0 : i32
    %c0_i32_0 = arith.constant 0 : i32
    %c0_i32_1 = arith.constant 0 : i32
    return %c0_i32, %c0_i32_0 : i32, i32
  }
  func.func @transform_2(%arg0: i32) -> (i32, i32) {
    %sub3A = arith.constant 0 : i32
    %sub3A_0 = arith.subi %arg0, %sub3A : i32
    %jit3A = arith.constant 0 : i32
    %jit3A_1 = arith.constant 7 : i32
    %max3A = arith.maxsi %jit3A, %sub3A_0 : i32
    %min3A = arith.minsi %jit3A_1, %max3A : i32
    %c0_i32 = arith.constant 0 : i32
    %c0_i32_2 = arith.constant 0 : i32
    return %min3A, %c0_i32 : i32, i32
  }
  func.func @transform_3(%arg0: i32) -> (i32, i32) {
    %sub3A = arith.constant 8 : i32
    %sub3A_0 = arith.subi %arg0, %sub3A : i32
    %jit3A = arith.constant 0 : i32
    %jit3A_1 = arith.constant 3 : i32
    %max3A = arith.maxsi %jit3A, %sub3A_0 : i32
    %min3A = arith.minsi %jit3A_1, %max3A : i32
    %c0_i32 = arith.constant 0 : i32
    %c0_i32_2 = arith.constant 0 : i32
    return %min3A, %c0_i32 : i32, i32
  }
  func.func @transform_4(%arg0: i32) -> (i32, i32) {
    %sub3A = arith.constant 12 : i32
    %sub3A_0 = arith.subi %arg0, %sub3A : i32
    %jit3A = arith.constant 0 : i32
    %jit3A_1 = arith.constant 1 : i32
    %max3A = arith.maxsi %jit3A, %sub3A_0 : i32
    %min3A = arith.minsi %jit3A_1, %max3A : i32
    %c0_i32 = arith.constant 0 : i32
    %c0_i32_2 = arith.constant 0 : i32
    return %min3A, %c0_i32 : i32, i32
  }
  func.func @transform_5(%arg0: i32) -> (i32, i32) {
    %sub3A = arith.constant 14 : i32
    %sub3A_0 = arith.subi %arg0, %sub3A : i32
    %jit3A = arith.constant 0 : i32
    %jit3A_1 = arith.constant 0 : i32
    %max3A = arith.maxsi %jit3A, %sub3A_0 : i32
    %min3A = arith.minsi %jit3A_1, %max3A : i32
    %c0_i32 = arith.constant 0 : i32
    %c0_i32_2 = arith.constant 0 : i32
    return %min3A, %c0_i32 : i32, i32
  }
  func.func @transform_6(%arg0: i32) -> (i32, i32) {
    %sub3A = arith.constant 15 : i32
    %sub3A_0 = arith.subi %arg0, %sub3A : i32
    %jit3A = arith.constant 0 : i32
    %jit3A_1 = arith.constant 0 : i32
    %max3A = arith.maxsi %jit3A, %sub3A_0 : i32
    %min3A = arith.minsi %jit3A_1, %max3A : i32
    %c0_i32 = arith.constant 0 : i32
    %c0_i32_2 = arith.constant 0 : i32
    return %min3A, %c0_i32 : i32, i32
  }
}

</mosaic_0001>

<sc_bundles>
// kernel: kernel.5.cloned.1.call-start
scs
__scs_entry_jumppad:
0x0: {  	(pc) =	sbr.rel $0x88, $3  }
0x1: {  	(tag) =	ssettag $0x0;
	lr =	simm.s32 $0x1  }
0x2: {  	[smem:$0x3F9F] =	sst lr;
	_ =	strace $0xD0000000  }
0x3: {  	_ = 	snop  }
0x4: {  	_ = 	snop  }
0x5: {  	_ = 	snop  }
0x6: {  	_ = 	snop  }
0x7: {  	_ = 	snop  }
__scs_overlays_trampoline_lowered:
0x8: {  	[smem:$0x3FAE] =	sst s0  }
0x9: {  	[smem:$0x3FAF] =	sst s1  }
0xa: {  	[smem:$0x3FB0] =	sst s2  }
0xb: {  	[smem:$0x3FB1] =	sst s3  }
0xc: {  	[smem:$0x3FB2] =	sst s4  }
0xd: {  	[smem:$0x3FB3] =	sst s5  }
0xe: {  	[smem:$0x3FB4] =	sst s6  }
0xf: {  	[smem:$0x3FB5] =	sst s7  }
0x10: {  	[smem:$0x3FB6] =	sst s8  }
0x11: {  	[smem:$0x3FB7] =	sst s9;
	s0 =	simm.s32 @!p0 $0x0  }
0x12: {  	s1 =	sld [smem:$0x3F9D];
	s0 =	simm.s32 @p0 $0x1  }
0x13: {  	[smem:$0x3FB8] =	sst s0;
	s0 =	simm.s32 @!p1 $0x0  }
0x14: {  	s2 =	sld [smem:$0x3F9C];
	s0 =	simm.s32 @p1 $0x1  }
0x15: {  	[smem:$0x3FB9] =	sst s0;
	s0 =	simm.s32 @!p2 $0x0  }
0x16: {  	s3 =	sld [smem:$0x3FDB];
	s0 =	simm.s32 @p2 $0x1  }
0x17: {  	s4 =	simm.s32 $0x1BF5;
	[smem:$0x3FBB] =	sst s0  }
0x18: {  	s0 =	sld [smem:$0x3F9E];
	_ =	swait.ge [sflag:s4], $0x0  }
0x19: {  	s7 =	sld [smem:$0x3F9F]  }
0x1a: {  	s8 =	sadd.s32 $0xFFFFE003, lr  }
0x1b: {  	s9 =	sadd.s32 $0xFFFFFEF7, lr;
	s5 =	simm.s32 $0xFFFFFFFF;
	p2 =	slt.u32 s8, $0xFFFFF086  }
0x1c: {  	p1 =	slt.u32 s9, $0xF7A;
	s5 =	simm.s32 @!p2 $0x0  }
0x1d: {  	s5 =	simm.s32 @p1 $0x1;
	p0 =	seq.s32 s7, s2  }
0x1e: {  	s7 =	smul.u32 @!p0 $0xF7A, s2;
	p2 =	seq.s32 @!p0 s5, $0x0  }
0x1f: {  	s9 =	smul.u32 $0xF7A, s1;
	s8 =	simm.s32 @!p0 $0x1BF5;
	p2 =	por !p2, p0  }
0x20: {  	[sflag:s8] =	ssyncset.s32 @!p0 $0xFFFFF086;
	s6 =	sadd.s32 @!p0 s3, s7;
	s7 =	simm.s32 @!p0 $0x108  }
0x21: {  	s3 =	sadd.s32 s3, s9;
	s6 =	sadd.s32 @!p0 $0x88, s6;
	s7 =	simm.s32 @p2 $0x1082  }
0x22: {  	[simem:s7], [sflag:s8] =	dma.local @!p0 [hbm:s6], $0xF7A  }
0x23: {  	s9 =	sor.u32 $0xD0000000, s2;
	s6 =	simm.s32 $0x108;
	_ =	swait.ge @!p0 [sflag:s8], $0x0  }
0x24: {  	s3 =	sadd.s32 $0x88, s3;
	s6 =	simm.s32 @!p1 $0x1082;
	[sflag:s4] =	ssyncset.s32 $0xFFFFF086  }
0x25: {  	[simem:s6], [sflag:s4] =	dma.local [hbm:s3], $0xF7A  }
0x26: {  	[smem:$0x3F9F] =	sst s1;
	(tag) =	ssettag s2;
	_ =	strace s9  }
0x27: {  	s1 =	sld [smem:$0x3FAF]  }
0x28: {  	s2 =	sld [smem:$0x3FB0]  }
0x29: {  	s4 =	sld [smem:$0x3FB2]  }
0x2a: {  	p0 =	seq.s32 s5, $0x0;
	s5 =	sld [smem:$0x3FB3]  }
0x2b: {  	s6 =	sld [smem:$0x3FB4]  }
0x2c: {  	s7 =	sld [smem:$0x3FB5]  }
0x2d: {  	s3 =	simm.s32 $0x108;
	s8 =	sld [smem:$0x3FB6]  }
0x2e: {  	s3 =	simm.s32 @!p0 $0x1082;
	s9 =	sld [smem:$0x3FB7]  }
0x2f: {  	lr =	sadd.s32 s0, s3;
	s0 =	sld [smem:$0x3FAE]  }
0x30: {  	s3 =	sld [smem:$0x3FB1]  }
0x31: {  	[smem:$0x3FBA] =	sst s10  }
0x32: {  	s10 =	sld [smem:$0x3FB8];
	_ =	sdelay $0x3  }
0x33: {  	p0 =	seq.s32 s10, $0x1;
	s10 =	sld [smem:$0x3FBA];
	_ =	sdelay $0x3  }
0x34: {  	[smem:$0x3FBA] =	sst s10  }
0x35: {  	s10 =	sld [smem:$0x3FB9];
	_ =	sdelay $0x3  }
0x36: {  	p1 =	seq.s32 s10, $0x1;
	s10 =	sld [smem:$0x3FBA];
	_ =	sdelay $0x3  }
0x37: {  	[smem:$0x3FBA] =	sst s10  }
0x38: {  	s10 =	sld [smem:$0x3FBB]  }
0x39: {  	_ = 	snop;
	(pc) =	sbr.ind lr, $3  }
0x3a: {  	_ = 	snop  }
0x3b: {  	_ = 	snop  }
0x3c: {  	p2 =	seq.s32 s10, $0x1;
	s10 =	sld [smem:$0x3FBA]  }
0x3d: {  	_ =	shalt  }
0x3e: {  	_ =	shalt  }
0x3f: {  	_ =	shalt  }
0x40: {  	_ =	shalt  }
0x41: {  	_ =	shalt  }
0x42: {  	_ =	shalt  }
0x43: {  	_ =	shalt  }
0x44: {  	_ =	shalt  }
0x45: {  	_ =	shalt  }
0x46: {  	_ =	shalt  }
0x47: {  	_ =	shalt  }
0x48: {  	_ =	shalt  }
0x49: {  	_ =	shalt  }
0x4a: {  	_ =	shalt  }
0x4b: {  	_ =	shalt  }
0x4c: {  	_ =	shalt  }
0x4d: {  	_ =	shalt  }
0x4e: {  	_ =	shalt  }
0x4f: {  	_ =	shalt  }
0x50: {  	_ =	shalt  }
0x51: {  	_ =	shalt  }
0x52: {  	_ =	shalt  }
0x53: {  	_ =	shalt  }
0x54: {  	_ =	shalt  }
0x55: {  	_ =	shalt  }
0x56: {  	_ =	shalt  }
0x57: {  	_ =	shalt  }
0x58: {  	_ =	shalt  }
0x59: {  	_ =	shalt  }
0x5a: {  	_ =	shalt  }
0x5b: {  	_ =	shalt  }
0x5c: {  	_ =	shalt  }
0x5d: {  	_ =	shalt  }
0x5e: {  	_ =	shalt  }
0x5f: {  	_ =	shalt  }
0x60: {  	_ =	shalt  }
0x61: {  	_ =	shalt  }
0x62: {  	_ =	shalt  }
0x63: {  	_ =	shalt  }
0x64: {  	_ =	shalt  }
0x65: {  	_ =	shalt  }
0x66: {  	_ =	shalt  }
0x67: {  	_ =	shalt  }
0x68: {  	_ =	shalt  }
0x69: {  	_ =	shalt  }
0x6a: {  	_ =	shalt  }
0x6b: {  	_ =	shalt  }
0x6c: {  	_ =	shalt  }
0x6d: {  	_ =	shalt  }
0x6e: {  	_ =	shalt  }
0x6f: {  	_ =	shalt  }
0x70: {  	_ =	shalt  }
0x71: {  	_ =	shalt  }
0x72: {  	_ =	shalt  }
0x73: {  	_ =	shalt  }
0x74: {  	_ =	shalt  }
0x75: {  	_ =	shalt  }
0x76: {  	_ =	shalt  }
0x77: {  	_ =	shalt  }
0x78: {  	_ =	shalt  }
0x79: {  	_ =	shalt  }
0x7a: {  	_ =	shalt  }
0x7b: {  	_ =	shalt  }
0x7c: {  	_ =	shalt  }
0x7d: {  	_ =	shalt  }
0x7e: {  	_ =	shalt  }
0x7f: {  	_ =	shalt  }
0x80: {  	_ =	shalt  }
0x81: {  	_ =	shalt  }
0x82: {  	_ =	shalt  }
0x83: {  	_ =	shalt  }
0x84: {  	_ =	shalt  }
0x85: {  	_ =	shalt  }
0x86: {  	_ =	shalt  }
0x87: {  	_ =	shalt  }
.Lfunc_end0:
.L_simem_size_0:
called_computation_lowered:
.L_overlay_start_0:
0x88: {  	s2 =	sld [smem:$0x3FD9]  }
0x89: {  	s3 =	sld [smem:$0x3FFE];
	_ =	sdelay $0x1  }
0x8a: {  	s1 =	srdreg.scid  }
0x8b: {  	s0 =	sand.u32 $0x1, s1  }
0x8c: {  	s14 =	sshll.u32 s0, $0xA;
	s2 =	sadd.s32 s3, s2  }
0x8d: {  	s2 =	sadd.s32 s2, s14  }
0x8e: {  	[smem:$0x3FC6] =	sst s2  }
0x8f: {  	_ = 	snop  }
0x90: {  	s2 =	sld [smem:$0x3FD0];
	_ =	sdelay $0x2  }
0x91: {  	s15 =	simm.s32 $0xA;
	s4 =	simm.s32 $0x10  }
0x92: {  	[smem:s4], [sflag:s15] =	dma.local [hbm:s2], $0x1  }
0x93: {  	_ =	swait.eq [sflag:s15], $0x1  }
0x94: {  	s5 =	sld [smem:$0x10]  }
0x95: {  	s6 =	sld [smem:$0x11]  }
0x96: {  	s7 =	sld [smem:$0x12]  }
0x97: {  	s8 =	sld [smem:$0x13];
	[sflag:s15] =	ssyncset.done $0x0  }
0x98: {  	s9 =	sld [smem:$0x14];
	[sflag:s15] =	ssyncadd.s32 $0xFFFFFFFF  }
0x99: {  	s2 =	sadd.s32 $0x1, s2;
	s10 =	sld [smem:$0x16]  }
0x9a: {  	[smem:s4], [sflag:s15] =	dma.local [hbm:s2], $0x1  }
0x9b: {  	_ =	swait.eq [sflag:s15], $0x1  }
0x9c: {  	[sflag:s15] =	ssyncset.done $0x0  }
0x9d: {  	[sflag:s15] =	ssyncadd.s32 $0xFFFFFFFF  }
0x9e: {  	s16 =	sld [smem:$0x10];
	(tm) =	ssettm $0x1  }
0x9f: {  	s17 =	sld [smem:$0x3FFB];
	_ =	sdelay $0x3  }
0xa0: {  	_ =	strace s17  }
0xa1: {  	s3 =	sld [smem:$0x3FFC];
	_ =	sdelay $0x3  }
0xa2: {  	_ =	strace s3  }
0xa3: {  	s3 =	sld [smem:$0x3FFD];
	_ =	sdelay $0x3  }
0xa4: {  	_ =	strace s3  }
0xa5: {  	_ =	strace $0x8FFFFFFF  }
0xa6: {  	s18 =	sld [smem:$0x3FDB];
	_ =	sdelay $0x1  }
0xa7: {  	s19 =	simm.s32 $_scs_section_size  }
0xa8: {  	s11 =	simm.s32 $_size__tile_overlayer_lowered;
	s12 =	simm.s32 $_tile_overlayer_lowered  }
0xa9: {  	s22 =	simm.s32 $0x1BFF;
	s21 =	sshll.u32 s12, $0x1;
	s3 =	sadd.s32 s19, s18  }
0xaa: {  	s13 =	simm.s32 $0x0;
	s20 =	sshll.u32 s11, $0x1;
	s11 =	sadd.s32 s21, s3  }
0xab: {  	[timem:s13], [sflag:s22] =	dma.local [hbm:s11], s20  }
0xac: {  	_ =	swait.ge [sflag:s22], s20  }
0xad: {  	s4 =	ssub.s32 $0x0, s20;
	[sflag:s22] =	ssyncset.done $0x0  }
0xae: {  	[sflag:s22] =	ssyncadd.s32 s4;
	_ =	sdelay $0x1  }
0xaf: {  	s23 =	simm.s32 $0x1B8B  }
0xb0: {  	_ =	swait.ge [sflag:s23], $0x1  }
0xb1: {  	[sflag:s23] =	ssyncset.done $0x0  }
0xb2: {  	s25 =	simm.s32 $0x1B8E;
	s24 =	sld [smem:$0x3FFE];
	[sflag:s23] =	ssyncadd.s32 $0xFFFFFFFF  }
0xb3: {  	s26 =	simm.s32 $execute0_lowered;
	[smem:$0x3FD2] =	sst s25  }
0xb4: {  	s11 =	sshll.u32 s26, $0x1;
	_ =	strace $0x80000046;
	[dreg:$0x1] =	wrdreg $0xFFFFFFFF  }
0xb5: {  	s28 =	simm.s32 $_size_execute0_lowered;
	s3 =	sadd.s32 s3, s11;
	[dreg:$0x0] =	wrdreg $0x0  }
0xb6: {  	s11 =	sshll.u32 s28, $0x1;
	[dreg:$0x2] =	wrdreg s3  }
0xb7: {  	[dreg:$0x3] =	wrdreg s11  }
0xb8: {  	[dreg:$0x4] =	wrdreg $0xC0  }
0xb9: {  	_ =	task [dreg:s13], $0x5FFFF  }
0xba: {  	[dreg:$0x1] =	wrdreg $0xFFFFFFFF  }
0xbb: {  	[dreg:$0x0] =	wrdreg $0x60  }
0xbc: {  	[dreg:$0x2] =	wrdreg s5  }
0xbd: {  	[dreg:$0x3] =	wrdreg s6  }
0xbe: {  	[dreg:$0x4] =	wrdreg s8  }
0xbf: {  	[dreg:$0x5] =	wrdreg s24  }
0xc0: {  	[dreg:$0x6] =	wrdreg s16  }
0xc1: {  	[dreg:$0x7] =	wrdreg s7  }
0xc2: {  	[dreg:$0x8] =	wrdreg s9  }
0xc3: {  	[dreg:$0x9] =	wrdreg s10  }
0xc4: {  	[dreg:$0xa] =	wrdreg $0x9  }
0xc5: {  	_ =	task.clear_ibuf [dreg:s13], $0xBFFFF;
	_ =	strace $0x90000046  }
0xc6: {  	s29 =	simm.s32 $0x9;
	_ =	strace $0x80000048  }
0xc7: {  	_ =	swait.ge [sflag:s29], $0x1  }
0xc8: {  	[sflag:s29] =	ssyncadd.s32 $0xFFFFFFFF  }
0xc9: {  	_ =	strace $0x90000048  }
0xca: {  	_ =	sfence  }
0xcb: {  	s30 =	sld [smem:$0x0];
	_ =	sdelay $0x2  }
0xcc: {  	s31 =	sshll.u32 s1, $0xD;
	s1 =	sshrl.u32 s1, $0x2  }
0xcd: {  	s3 =	sand.u32 $0x4000, s31;
	s1 =	sadd.s32 s1, s30  }
0xce: {  	s0 =	sor.u32 s3, s0;
	s1 =	sshll.u32 s1, $0x11  }
0xcf: {  	s0 =	sor.u32 s1, s0  }
0xd0: {  	s0 =	sadd.s32 $0x8F2B, s0  }
0xd1: {  	[sflag:s0] =	ssyncadd.remote.s32 $0x1  }
0xd2: {  	_ =	sfence.sel $0xFFFF  }
0xd3: {  	[dreg:$0x0] =	wrdreg $0xFFFFFFFF;
	(pc) =	sbr.abs _section_cstart, $3  }
0xd4: {  	[dreg:$0x1] =	wrdreg $0xFFFFFFFF  }
0xd5: {  	_ =	task.clear_ibuf [dreg:s13], $0x2FFFF;
	_ =	strace $0x9FFFFFFF  }
0xd6: {  	(tm) =	ssettm $0x7FFFFFFF  }
0xd7: {  	_ =	shalt  }
tec
execute0_lowered:
.L_overlay_start_1:
0x0: {  	(tag) =	ssettag $0x1  }
0x1: {  	s24 =	rddreg [dreg:$0x0]  }
0x2: {  	s1 =	rddreg [dreg:$0x1]  }
0x3: {  	s3 =	rddreg [dreg:$0x2]  }
0x4: {  	s2 =	rddreg [dreg:$0x3]  }
0x5: {  	s7 =	rddreg [dreg:$0x4]  }
0x6: {  	s4 =	rddreg [dreg:$0x5]  }
0x7: {  	s6 =	rddreg [dreg:$0x6]  }
0x8: {  	s16 =	rddreg [dreg:$0x7];
	s5 =	simm.s32 $0x0  }
0x9: {  	[smem:$0x7FF] =	sst s5;
	s12 =	sadd.s32 $0x1400, s2  }
0xa: {  	s14 =	simm.s32 $0x80;
	_ =	strace $0x80000047;
	[smem:$0x7EF] =	sst s12  }
0xb: {  	s8 =	srdreg.scid;
	s19 =	simm.s32 $0xC0;
	[dreg:$0x12] =	wrdreg s14  }
0xc: {  	s9 =	stileid.u32;
	s20 =	simm.s32 $0xE0;
	[dreg:$0x13] =	wrdreg s19  }
0xd: {  	s21 =	simm.s32 $0x6100;
	s23 =	simm.s32 $0x6900;
	[dreg:$0x14] =	wrdreg s20  }
0xe: {  	s8 =	sand.u32 $0x1, s8;
	s9 =	sshll.u32 s9, $0x1;
	[dreg:$0x15] =	wrdreg s21  }
0xf: {  	s25 =	sadd.s32 $0x100, s3;
	s18 =	sor.u32 s8, s9;
	[dreg:$0x16] =	wrdreg s23  }
0x10: {  	s8 =	ssub.s32 $0x2, s8;
	s12 =	simm.s32 $0x7100;
	[smem:$0x7F0] =	sst s25  }
0x11: {  	s14 =	simm.s32 $0x8100;
	s19 =	simm.s32 $0x9900;
	[dreg:$0x17] =	wrdreg s12  }
0x12: {  	s21 =	simm.s32 $0xC900;
	s25 =	simm.s32 $0xD100;
	[dreg:$0x19] =	wrdreg s14  }
0x13: {  	s9 =	sshll.u32 s18, $0x4;
	s10 =	sshll.u32 s18, $0x3;
	[dreg:$0x1c] =	wrdreg s19  }
0x14: {  	s11 =	sshll.u32 s18, $0x2;
	s0 =	sshll.u32 s18, $0xE;
	[smem:$0x7F6] =	sst s21  }
0x15: {  	s17 =	sshrl.u32 s8, $0x1;
	s14 =	simm.s32 $0xB900;
	[smem:$0x7F7] =	sst s25  }
0x16: {  	s9 =	sadd.s32 s7, s9;
	s10 =	sadd.s32 s10, s7;
	[smem:$0x7F3] =	sst s14  }
0x17: {  	s30 =	sadd.s32 s11, s7;
	s7 =	sadd.s32 $0x380, s7;
	[dreg:$0x9] =	wrdreg s9  }
0x18: {  	s15 =	sadd.s32 s4, s0;
	s0 =	simm.s32 $0x8900;
	[dreg:$0xc] =	wrdreg s7  }
0x19: {  	s22 =	ssub.s32 s8, s17;
	s17 =	simm.s32 $0xC100;
	[dreg:$0x1a] =	wrdreg s0  }
0x1a: {  	s20 =	sshll.u32 s18, $0xD;
	[smem:$0x7F4] =	sst s17  }
0x1b: {  	s23 =	sadd.s32 s6, s20;
	[smem:$0x7F5] =	sst s15  }
0x1c: {  	s29 =	simm.s32 $0x1;
	s26 =	sadd.s32 $0x200, s10;
	[smem:$0x7F9] =	sst s23  }
0x1d: {  	s28 =	simm.s32 $0x15900;
	s31 =	sadd.s32 $0x300, s30;
	[dreg:$0xa] =	wrdreg s26  }
0x1e: {  	s12 =	sadd.s32 $0x200, s1;
	s11 =	sadd.s32 $0x1C00, s15;
	[dreg:$0xb] =	wrdreg s31  }
0x1f: {  	p0 =	seq.s32 s18, $0x1F;
	s13 =	sadd.s32 $0x3800, s15;
	[dreg:$0xd] =	wrdreg s11  }
0x20: {  	s25 =	simm.s32 $0xF900;
	s30 =	sadd.s32 $0x200, s3;
	[dreg:$0xe] =	wrdreg s13  }
0x21: {  	s8 =	sadd.s32 $0x100, s24;
	s0 =	simm.s32 $0xA100;
	[smem:$0x7F1] =	sst s30  }
0x22: {  	s6 =	sadd.s32 $0x3FC00, s6;
	s13 =	simm.s32 $0x7900;
	[dreg:$0x1d] =	wrdreg s0  }
0x23: {  	s9 =	sadd.s32 $0x200, s24;
	s26 =	simm.s32 $0x9100;
	[dreg:$0x18] =	wrdreg s13  }
0x24: {  	s10 =	sadd.s32 $0x300, s24;
	s31 =	sadd.s32 $0x300, s3;
	[dreg:$0x1b] =	wrdreg s26  }
0x25: {  	s7 =	sshll.u32 s18, $0xC;
	s3 =	simm.s32 $0xB100;
	[smem:$0x7F2] =	sst s31  }
0x26: {  	s19 =	sadd.s32 $0x3C00, s15;
	s20 =	sadd.s32 s16, s7;
	[dreg:$0x1f] =	wrdreg s3  }
0x27: {  	s18 =	sadd.s32 $0x1C00, s23;
	s30 =	sadd.s32 $0x1500, s2;
	[smem:$0x7FA] =	sst s20  }
0x28: {  	s11 =	sadd.s32 $0x100, s1;
	s18 =	smov.u32 @p0 s6;
	[smem:$0x7FB] =	sst s30  }
0x29: {  	s13 =	sadd.s32 $0x300, s1;
	s1 =	simm.s32 $0xA900;
	[dreg:$0x10] =	wrdreg s18  }
0x2a: {  	s0 =	sadd.s32 $0x7FC00, s4;
	s26 =	simm.s32 $0xD900;
	[dreg:$0x1e] =	wrdreg s1  }
0x2b: {  	s22 =	smax.u32 s22, $0x1;
	s19 =	smov.u32 @p0 s0;
	[smem:$0x7F8] =	sst s26  }
0x2c: {  	s31 =	sadd.s32 $0x1600, s2;
	s2 =	sadd.s32 $0x1700, s2;
	[dreg:$0xf] =	wrdreg s19  }
0x2d: {  	v2 =	vlaneseq.u32;
	vm0 =	vmmov $0xffff;
	s0 =	sadd.s32 $0xC00, s20;
	[smem:$0x7FD] =	sst s2;
	s2 =	sadd.s32 $0x1FC00, s16  }
0x2e: {  	v1 =	vshrl.u32 v2, $0x3;
	v0 =	vand.u32 $0x7, v2;
	v2 =	vor.u32 $0x8, v2;
	s23 =	simm.s32 $0x5;
	[smem:$0x7FC] =	sst s31;
	s0 =	smov.u32 @p0 s2  }
0x2f: {  	v1 =	vmul.u32 $0x8, v1;
	vm1 =	vmmov @p0 $0xffff;
	vm2 =	vmmov @!p0 $0xffff;
	s26 =	simm.s32 $0x16100;
	[dreg:$0x11] =	wrdreg s0;
	s0 =	simm.s32 $0x100  }
.LBB2_1:
0x30: {  	s31 =	rddreg [dreg:$0x9]  }
0x31: {  	[tilespmem:s5], [sflag:$0x5] =	stream.linear.gather [hbm4b:s31+s5], $0x80, $0x38;
	[tilespmem:$0x1C100] =	vst v63  }
0x32: {  	_ =	swait.ge [sflag:s23], $0x80  }
0x33: {  	s20 =	rddreg [dreg:$0xa];
	[sflag:s23] =	ssyncset.done $0x0  }
0x34: {  	s2 =	rddreg [dreg:$0x12];
	[sflag:s23] =	ssyncadd.s32 $0xFFFFFF80  }
0x35: {  	[tilespmem:s2], [sflag:$0x5] =	stream.linear.gather [hbm4b:s20+s5], $0x40, $0x38;
	[tilespmem:$0x1C100] =	vst v63  }
0x36: {  	_ =	swait.ge [sflag:s23], $0x40  }
0x37: {  	s21 =	rddreg [dreg:$0xb];
	[sflag:s23] =	ssyncset.done $0x0  }
0x38: {  	s30 =	rddreg [dreg:$0x13];
	[sflag:s23] =	ssyncadd.s32 $0xFFFFFFC0  }
0x39: {  	[tilespmem:s30], [sflag:$0x5] =	stream.linear.gather [hbm4b:s21+s5], $0x20, $0x38;
	[tilespmem:$0x1C100] =	vst v63  }
0x3a: {  	_ =	swait.ge [sflag:s23], $0x20  }
0x3b: {  	s1 =	rddreg [dreg:$0xc];
	[sflag:s23] =	ssyncset.done $0x0  }
0x3c: {  	s3 =	rddreg [dreg:$0x14];
	[sflag:s23] =	ssyncadd.s32 $0xFFFFFFE0  }
0x3d: {  	[tilespmem:s3], [sflag:$0x5] =	stream.linear.gather [hbm4b:s1+s5], $0x18, $0x38;
	[tilespmem:$0x1C100] =	vst v63  }
0x3e: {  	_ =	swait.ge [sflag:s23], $0x18  }
0x3f: {  	[sflag:s23] =	ssyncset.done $0x0  }
0x40: {  	[sflag:s23] =	ssyncadd.s32 $0xFFFFFFE8  }
0x41: {  	v3 =	vld [tilespmem:$0x0];
	_ =	sdelay $0x4  }
0x42: {  	v4 =	vshll.u32 v3, $0x3  }
0x43: {  	v3 =	vand.u32 $0x7, v3;
	v4 =	vand.u32 $0xFFFFFFC0, v4  }
0x44: {  	v3 =	vor.u32 v3, v4  }
0x45: {  	v4 =	vperm.xlane v3, v0;
	_ =	sdelay $0x1  }
0x46: {  	v4 =	vadd.s32 v1, v4;
	_ =	sdelay $0x4  }
0x47: {  	[tilespmem:s0], [sflag:$0x1] =	stream.indirect_vreg.gather [hbm4b:s24+s5], $0x80, v4, vm0, $0xb8;
	[tilespmem:$0x1C100] =	vst v63  }
0x48: {  	s1 =	simm.s32 $0x900;
	v3 =	vperm.xlane v3, v2  }
0x49: {  	[tilespmem:s1], [sflag:$0x1] =	stream.indirect_vreg.gather [hbm4b:s8+s5], $0x80, v4, vm0, $0xb8;
	[tilespmem:$0x1C100] =	vst v63  }
0x4a: {  	s4 =	simm.s32 $0x1100;
	v3 =	vadd.s32 v1, v3  }
0x4b: {  	[tilespmem:s4], [sflag:$0x1] =	stream.indirect_vreg.gather [hbm4b:s9+s5], $0x80, v4, vm0, $0xb8;
	[tilespmem:$0x1C100] =	vst v63  }
0x4c: {  	s6 =	simm.s32 $0x1900  }
0x4d: {  	[tilespmem:s6], [sflag:$0x1] =	stream.indirect_vreg.gather [hbm4b:s10+s5], $0x80, v4, vm0, $0xb8;
	[tilespmem:$0x1C100] =	vst v63  }
0x4e: {  	s7 =	simm.s32 $0x2100  }
0x4f: {  	[tilespmem:s7], [sflag:$0x1] =	stream.indirect_vreg.gather [hbm4b:s24+s5], $0x80, v3, vm0, $0xb8;
	[tilespmem:$0x1C100] =	vst v63  }
0x50: {  	s14 =	simm.s32 $0x2900  }
0x51: {  	[tilespmem:s14], [sflag:$0x1] =	stream.indirect_vreg.gather [hbm4b:s8+s5], $0x80, v3, vm0, $0xb8;
	[tilespmem:$0x1C100] =	vst v63  }
0x52: {  	s15 =	simm.s32 $0x3100  }
0x53: {  	[tilespmem:s15], [sflag:$0x1] =	stream.indirect_vreg.gather [hbm4b:s9+s5], $0x80, v3, vm0, $0xb8;
	[tilespmem:$0x1C100] =	vst v63  }
0x54: {  	s16 =	simm.s32 $0x3900  }
0x55: {  	[tilespmem:s16], [sflag:$0x1] =	stream.indirect_vreg.gather [hbm4b:s10+s5], $0x80, v3, vm0, $0xb8;
	[tilespmem:$0x1C100] =	vst v63  }
0x56: {  	v3 =	vld [tilespmem:$0x10];
	_ =	sdelay $0x4  }
0x57: {  	v48 =	vshll.u32 v3, $0x3  }
0x58: {  	v3 =	vand.u32 $0x7, v3;
	v4 =	vand.u32 $0xFFFFFFC0, v48  }
0x59: {  	v3 =	vor.u32 v3, v4  }
0x5a: {  	v4 =	vperm.xlane v3, v0;
	_ =	sdelay $0x1  }
0x5b: {  	v4 =	vadd.s32 v1, v4;
	_ =	sdelay $0x3  }
0x5c: {  	s19 =	simm.s32 $0x4100  }
0x5d: {  	[tilespmem:s19], [sflag:$0x1] =	stream.indirect_vreg.gather [hbm4b:s24+s5], $0x80, v4, vm0, $0xb8;
	[tilespmem:$0x1C100] =	vst v63  }
0x5e: {  	s20 =	simm.s32 $0x4900;
	v3 =	vperm.xlane v3, v2  }
0x5f: {  	[tilespmem:s20], [sflag:$0x1] =	stream.indirect_vreg.gather [hbm4b:s8+s5], $0x80, v4, vm0, $0xb8;
	[tilespmem:$0x1C100] =	vst v63  }
0x60: {  	s21 =	simm.s32 $0x5100;
	v3 =	vadd.s32 v1, v3  }
0x61: {  	[tilespmem:s21], [sflag:$0x1] =	stream.indirect_vreg.gather [hbm4b:s9+s5], $0x80, v4, vm0, $0xb8;
	[tilespmem:$0x1C100] =	vst v63  }
0x62: {  	s31 =	simm.s32 $0x5900  }
0x63: {  	[tilespmem:s31], [sflag:$0x1] =	stream.indirect_vreg.gather [hbm4b:s10+s5], $0x80, v4, vm0, $0xb8;
	[tilespmem:$0x1C100] =	vst v63  }
0x64: {  	s30 =	rddreg [dreg:$0x15]  }
0x65: {  	[tilespmem:s30], [sflag:$0x1] =	stream.indirect_vreg.gather [hbm4b:s24+s5], $0x80, v3, vm0, $0xb8;
	[tilespmem:$0x1C100] =	vst v63  }
0x66: {  	s3 =	rddreg [dreg:$0x16]  }
0x67: {  	[tilespmem:s3], [sflag:$0x1] =	stream.indirect_vreg.gather [hbm4b:s8+s5], $0x80, v3, vm0, $0xb8;
	[tilespmem:$0x1C100] =	vst v63  }
0x68: {  	s4 =	rddreg [dreg:$0x17]  }
0x69: {  	[tilespmem:s4], [sflag:$0x1] =	stream.indirect_vreg.gather [hbm4b:s9+s5], $0x80, v3, vm0, $0xb8;
	[tilespmem:$0x1C100] =	vst v63  }
0x6a: {  	s6 =	rddreg [dreg:$0x18]  }
0x6b: {  	[tilespmem:s6], [sflag:$0x1] =	stream.indirect_vreg.gather [hbm4b:s10+s5], $0x80, v3, vm0, $0xb8;
	[tilespmem:$0x1C100] =	vst v63  }
0x6c: {  	v3 =	vld [tilespmem:$0x20];
	_ =	sdelay $0x4  }
0x6d: {  	v49 =	vshll.u32 v3, $0x3  }
0x6e: {  	v3 =	vand.u32 $0x7, v3;
	v4 =	vand.u32 $0xFFFFFFC0, v49  }
0x6f: {  	v3 =	vor.u32 v3, v4  }
0x70: {  	v4 =	vperm.xlane v3, v0;
	_ =	sdelay $0x1  }
0x71: {  	v4 =	vadd.s32 v1, v4;
	_ =	sdelay $0x2  }
0x72: {  	s7 =	rddreg [dreg:$0x19]  }
0x73: {  	s14 =	rddreg [dreg:$0x1a]  }
0x74: {  	[tilespmem:s7], [sflag:$0x1] =	stream.indirect_vreg.gather [hbm4b:s24+s5], $0x80, v4, vm0, $0xb8;
	[tilespmem:$0x1C100] =	vst v63  }
0x75: {  	s15 =	rddreg [dreg:$0x1b];
	v3 =	vperm.xlane v3, v2  }
0x76: {  	[tilespmem:s14], [sflag:$0x1] =	stream.indirect_vreg.gather [hbm4b:s8+s5], $0x80, v4, vm0, $0xb8;
	[tilespmem:$0x1C100] =	vst v63  }
0x77: {  	s16 =	rddreg [dreg:$0x1c];
	v3 =	vadd.s32 v1, v3  }
0x78: {  	[tilespmem:s15], [sflag:$0x1] =	stream.indirect_vreg.gather [hbm4b:s9+s5], $0x80, v4, vm0, $0xb8;
	[tilespmem:$0x1C100] =	vst v63  }
0x79: {  	s19 =	rddreg [dreg:$0x1d]  }
0x7a: {  	[tilespmem:s16], [sflag:$0x1] =	stream.indirect_vreg.gather [hbm4b:s10+s5], $0x80, v4, vm0, $0xb8;
	[tilespmem:$0x1C100] =	vst v63  }
0x7b: {  	s20 =	rddreg [dreg:$0x1e]  }
0x7c: {  	[tilespmem:s19], [sflag:$0x1] =	stream.indirect_vreg.gather [hbm4b:s24+s5], $0x80, v3, vm0, $0xb8;
	[tilespmem:$0x1C100] =	vst v63  }
0x7d: {  	s21 =	rddreg [dreg:$0x1f]  }
0x7e: {  	[tilespmem:s20], [sflag:$0x1] =	stream.indirect_vreg.gather [hbm4b:s8+s5], $0x80, v3, vm0, $0xb8;
	[tilespmem:$0x1C100] =	vst v63  }
0x7f: {  	s30 =	sld [smem:$0x7F3]  }
0x80: {  	[tilespmem:s21], [sflag:$0x1] =	stream.indirect_vreg.gather [hbm4b:s9+s5], $0x80, v3, vm0, $0xb8;
	[tilespmem:$0x1C100] =	vst v63  }
0x81: {  	_ = 	snop  }
0x82: {  	[tilespmem:s30], [sflag:$0x1] =	stream.indirect_vreg.gather [hbm4b:s10+s5], $0x80, v3, vm0, $0xb8;
	[tilespmem:$0x1C100] =	vst v63  }
0x83: {  	v3 =	vld.msk [tilespmem:$0x30], $0xff;
	_ =	sdelay $0x4  }
0x84: {  	v50 =	vshll.u32 v3, $0x3  }
0x85: {  	v3 =	vand.u32 $0x7, v3;
	v4 =	vand.u32 $0xFFFFFFC0, v50  }
0x86: {  	v3 =	vor.u32 v3, v4  }
0x87: {  	v3 =	vperm.xlane v3, v0;
	_ =	sdelay $0x1  }
0x88: {  	v3 =	vadd.s32 v1, v3;
	_ =	sdelay $0x1  }
0x89: {  	s1 =	sld [smem:$0x7F4];
	_ =	sdelay $0x1  }
0x8a: {  	s3 =	sld [smem:$0x7F6]  }
0x8b: {  	[tilespmem:s1], [sflag:$0x1] =	stream.indirect_vreg.gather [hbm4b:s24+s5], $0x80, v3, vm0, $0xb8;
	[tilespmem:$0x1C100] =	vst v63  }
0x8c: {  	s4 =	sld [smem:$0x7F7]  }
0x8d: {  	[tilespmem:s3], [sflag:$0x1] =	stream.indirect_vreg.gather [hbm4b:s8+s5], $0x80, v3, vm0, $0xb8;
	[tilespmem:$0x1C100] =	vst v63  }
0x8e: {  	s6 =	sld [smem:$0x7F8]  }
0x8f: {  	[tilespmem:s4], [sflag:$0x1] =	stream.indirect_vreg.gather [hbm4b:s9+s5], $0x80, v3, vm0, $0xb8;
	[tilespmem:$0x1C100] =	vst v63  }
0x90: {  	_ = 	snop  }
0x91: {  	[tilespmem:s6], [sflag:$0x1] =	stream.indirect_vreg.gather [hbm4b:s10+s5], $0x80, v3, vm0, $0xb8;
	[tilespmem:$0x1C100] =	vst v63  }
0x92: {  	_ =	swait.ge [sflag:s29], $0xE000  }
0x93: {  	[sflag:s29] =	ssyncset.done $0x0  }
0x94: {  	[sflag:s29] =	ssyncadd.s32 $0xFFFF2000  }
0x95: {  	v3 =	vld [tilespmem:$0x38];
	_ =	sdelay $0x4  }
0x96: {  	v51 =	vshll.u32 v3, $0x3  }
0x97: {  	v3 =	vand.u32 $0x7, v3;
	v4 =	vand.u32 $0xFFFFFFC0, v51  }
0x98: {  	v3 =	vor.u32 v3, v4  }
0x99: {  	v4 =	vperm.xlane v3, v0;
	_ =	sdelay $0x1  }
0x9a: {  	v4 =	vadd.s32 v1, v4;
	_ =	sdelay $0x3  }
0x9b: {  	s7 =	simm.s32 $0xE100  }
0x9c: {  	[tilespmem:s7], [sflag:$0x2] =	stream.indirect_vreg.gather [hbm4b:s24+s5], $0x80, v4, vm0, $0xb8;
	[tilespmem:$0x1C100] =	vst v63  }
0x9d: {  	s30 =	simm.s32 $0xE900;
	v3 =	vperm.xlane v3, v2  }
0x9e: {  	[tilespmem:s30], [sflag:$0x2] =	stream.indirect_vreg.gather [hbm4b:s8+s5], $0x80, v4, vm0, $0xb8;
	[tilespmem:$0x1C100] =	vst v63  }
0x9f: {  	s19 =	simm.s32 $0xF100;
	v3 =	vadd.s32 v1, v3  }
0xa0: {  	[tilespmem:s19], [sflag:$0x2] =	stream.indirect_vreg.gather [hbm4b:s9+s5], $0x80, v4, vm0, $0xb8;
	[tilespmem:$0x1C100] =	vst v63  }
0xa1: {  	_ = 	snop  }
0xa2: {  	[tilespmem:s25], [sflag:$0x2] =	stream.indirect_vreg.gather [hbm4b:s10+s5], $0x80, v4, vm0, $0xb8;
	[tilespmem:$0x1C100] =	vst v63  }
0xa3: {  	s4 =	simm.s32 $0x10100  }
0xa4: {  	[tilespmem:s4], [sflag:$0x2] =	stream.indirect_vreg.gather [hbm4b:s24+s5], $0x80, v3, vm0, $0xb8;
	[tilespmem:$0x1C100] =	vst v63  }
0xa5: {  	s20 =	simm.s32 $0x10900  }
0xa6: {  	[tilespmem:s20], [sflag:$0x2] =	stream.indirect_vreg.gather [hbm4b:s8+s5], $0x80, v3, vm0, $0xb8;
	[tilespmem:$0x1C100] =	vst v63  }
0xa7: {  	s14 =	simm.s32 $0x11100  }
0xa8: {  	[tilespmem:s14], [sflag:$0x2] =	stream.indirect_vreg.gather [hbm4b:s9+s5], $0x80, v3, vm0, $0xb8;
	[tilespmem:$0x1C100] =	vst v63  }
0xa9: {  	s6 =	simm.s32 $0x11900  }
0xaa: {  	[tilespmem:s6], [sflag:$0x2] =	stream.indirect_vreg.gather [hbm4b:s10+s5], $0x80, v3, vm0, $0xb8;
	[tilespmem:$0x1C100] =	vst v63  }
0xab: {  	v3 =	vld [tilespmem:$0x48];
	_ =	sdelay $0x4  }
0xac: {  	v52 =	vshll.u32 v3, $0x3  }
0xad: {  	v3 =	vand.u32 $0x7, v3;
	v4 =	vand.u32 $0xFFFFFFC0, v52  }
0xae: {  	v3 =	vor.u32 v3, v4  }
0xaf: {  	v4 =	vperm.xlane v3, v0;
	_ =	sdelay $0x1  }
0xb0: {  	v4 =	vadd.s32 v1, v4;
	_ =	sdelay $0x3  }
0xb1: {  	s1 =	simm.s32 $0x12100  }
0xb2: {  	[tilespmem:s1], [sflag:$0x2] =	stream.indirect_vreg.gather [hbm4b:s24+s5], $0x80, v4, vm0, $0xb8;
	[tilespmem:$0x1C100] =	vst v63  }
0xb3: {  	s3 =	simm.s32 $0x12900;
	v3 =	vperm.xlane v3, v2  }
0xb4: {  	[tilespmem:s3], [sflag:$0x2] =	stream.indirect_vreg.gather [hbm4b:s8+s5], $0x80, v4, vm0, $0xb8;
	[tilespmem:$0x1C100] =	vst v63  }
0xb5: {  	s14 =	simm.s32 $0x13100;
	v3 =	vadd.s32 v1, v3  }
0xb6: {  	[tilespmem:s14], [sflag:$0x2] =	stream.indirect_vreg.gather [hbm4b:s9+s5], $0x80, v4, vm0, $0xb8;
	[tilespmem:$0x1C100] =	vst v63  }
0xb7: {  	s31 =	simm.s32 $0x13900  }
0xb8: {  	[tilespmem:s31], [sflag:$0x2] =	stream.indirect_vreg.gather [hbm4b:s10+s5], $0x80, v4, vm0, $0xb8;
	[tilespmem:$0x1C100] =	vst v63  }
0xb9: {  	s15 =	simm.s32 $0x14100  }
0xba: {  	[tilespmem:s15], [sflag:$0x2] =	stream.indirect_vreg.gather [hbm4b:s24+s5], $0x80, v3, vm0, $0xb8;
	[tilespmem:$0x1C100] =	vst v63  }
0xbb: {  	s7 =	simm.s32 $0x14900  }
0xbc: {  	[tilespmem:s7], [sflag:$0x2] =	stream.indirect_vreg.gather [hbm4b:s8+s5], $0x80, v3, vm0, $0xb8;
	[tilespmem:$0x1C100] =	vst v63  }
0xbd: {  	s16 =	simm.s32 $0x15100  }
0xbe: {  	[tilespmem:s16], [sflag:$0x2] =	stream.indirect_vreg.gather [hbm4b:s9+s5], $0x80, v3, vm0, $0xb8;
	[tilespmem:$0x1C100] =	vst v63  }
0xbf: {  	_ = 	snop  }
0xc0: {  	[tilespmem:s28], [sflag:$0x2] =	stream.indirect_vreg.gather [hbm4b:s10+s5], $0x80, v3, vm0, $0xb8;
	[tilespmem:$0x1C100] =	vst v63  }
0xc1: {  	v3 =	vld [tilespmem:$0x58];
	_ =	sdelay $0x4  }
0xc2: {  	v53 =	vshll.u32 v3, $0x3  }
0xc3: {  	v3 =	vand.u32 $0x7, v3;
	v4 =	vand.u32 $0xFFFFFFC0, v53  }
0xc4: {  	v3 =	vor.u32 v3, v4  }
0xc5: {  	v4 =	vperm.xlane v3, v0;
	_ =	sdelay $0x1  }
0xc6: {  	v4 =	vadd.s32 v1, v4;
	_ =	sdelay $0x4  }
0xc7: {  	[tilespmem:s26], [sflag:$0x2] =	stream.indirect_vreg.gather [hbm4b:s24+s5], $0x80, v4, vm0, $0xb8;
	[tilespmem:$0x1C100] =	vst v63  }
0xc8: {  	s21 =	simm.s32 $0x16900;
	v3 =	vperm.xlane v3, v2  }
0xc9: {  	[tilespmem:s21], [sflag:$0x2] =	stream.indirect_vreg.gather [hbm4b:s8+s5], $0x80, v4, vm0, $0xb8;
	[tilespmem:$0x1C100] =	vst v63  }
0xca: {  	s15 =	simm.s32 $0x17100;
	v3 =	vadd.s32 v1, v3  }
0xcb: {  	[tilespmem:s15], [sflag:$0x2] =	stream.indirect_vreg.gather [hbm4b:s9+s5], $0x80, v4, vm0, $0xb8;
	[tilespmem:$0x1C100] =	vst v63  }
0xcc: {  	s16 =	simm.s32 $0x17900  }
0xcd: {  	[tilespmem:s16], [sflag:$0x2] =	stream.indirect_vreg.gather [hbm4b:s10+s5], $0x80, v4, vm0, $0xb8;
	[tilespmem:$0x1C100] =	vst v63  }
0xce: {  	s21 =	simm.s32 $0x18100  }
0xcf: {  	[tilespmem:s21], [sflag:$0x2] =	stream.indirect_vreg.gather [hbm4b:s24+s5], $0x80, v3, vm0, $0xb8;
	[tilespmem:$0x1C100] =	vst v63  }
0xd0: {  	s15 =	simm.s32 $0x18900  }
0xd1: {  	[tilespmem:s15], [sflag:$0x2] =	stream.indirect_vreg.gather [hbm4b:s8+s5], $0x80, v3, vm0, $0xb8;
	[tilespmem:$0x1C100] =	vst v63  }
0xd2: {  	s16 =	simm.s32 $0x19100  }
0xd3: {  	[tilespmem:s16], [sflag:$0x2] =	stream.indirect_vreg.gather [hbm4b:s9+s5], $0x80, v3, vm0, $0xb8;
	[tilespmem:$0x1C100] =	vst v63  }
0xd4: {  	s21 =	simm.s32 $0x19900  }
0xd5: {  	[tilespmem:s21], [sflag:$0x2] =	stream.indirect_vreg.gather [hbm4b:s10+s5], $0x80, v3, vm0, $0xb8;
	[tilespmem:$0x1C100] =	vst v63  }
0xd6: {  	v3 =	vld.msk [tilespmem:$0x68], $0xff;
	_ =	sdelay $0x4  }
0xd7: {  	v54 =	vshll.u32 v3, $0x3  }
0xd8: {  	v3 =	vand.u32 $0x7, v3;
	v4 =	vand.u32 $0xFFFFFFC0, v54  }
0xd9: {  	v3 =	vor.u32 v3, v4  }
0xda: {  	v3 =	vperm.xlane v3, v0;
	_ =	sdelay $0x1  }
0xdb: {  	v3 =	vadd.s32 v1, v3;
	_ =	sdelay $0x3  }
0xdc: {  	s15 =	simm.s32 $0x1A100  }
0xdd: {  	[tilespmem:s15], [sflag:$0x2] =	stream.indirect_vreg.gather [hbm4b:s24+s5], $0x80, v3, vm0, $0xb8;
	[tilespmem:$0x1C100] =	vst v63  }
0xde: {  	s16 =	simm.s32 $0x1A900  }
0xdf: {  	[tilespmem:s16], [sflag:$0x2] =	stream.indirect_vreg.gather [hbm4b:s8+s5], $0x80, v3, vm0, $0xb8;
	[tilespmem:$0x1C100] =	vst v63  }
0xe0: {  	s21 =	simm.s32 $0x1B100  }
0xe1: {  	[tilespmem:s21], [sflag:$0x2] =	stream.indirect_vreg.gather [hbm4b:s9+s5], $0x80, v3, vm0, $0xb8;
	[tilespmem:$0x1C100] =	vst v63  }
0xe2: {  	s15 =	simm.s32 $0x1B900;
	s16 =	sld [smem:$0x7F5]  }
0xe3: {  	[tilespmem:s15], [sflag:$0x2] =	stream.indirect_vreg.gather [hbm4b:s10+s5], $0x80, v3, vm0, $0xb8;
	[tilespmem:$0x1C100] =	vst v63  }
0xe4: {  	s15 =	simm.s32 $0x2  }
0xe5: {  	[hbm4b:s16+s5] =	stream.linear.scatter [tilespmem:s0], [sflag:$0x3], $0xE000, $0x38;
	[tilespmem:$0x1C100] =	vst v63  }
0xe6: {  	_ =	swait.ge [sflag:s15], $0xE000  }
0xe7: {  	[sflag:s15] =	ssyncset.done $0x0  }
0xe8: {  	s16 =	simm.s32 $0x3;
	[sflag:s15] =	ssyncadd.s32 $0xFFFF2000  }
0xe9: {  	_ =	swait.ge [sflag:s16], $0xE000  }
0xea: {  	[sflag:s16] =	ssyncset.done $0x0  }
0xeb: {  	[sflag:s16] =	ssyncadd.s32 $0xFFFF2000  }
0xec: {  	v3 =	vld.msk [tilespmem:$0x70], $0xff;
	_ =	sdelay $0x4  }
0xed: {  	v55 =	vshll.u32 v3, $0x3  }
0xee: {  	v3 =	vand.u32 $0x7, v3;
	v4 =	vand.u32 $0xFFFFFFC0, v55  }
0xef: {  	v3 =	vor.u32 v3, v4  }
0xf0: {  	v3 =	vperm.xlane v3, v0;
	_ =	sdelay $0x1  }
0xf1: {  	v3 =	vadd.s32 v1, v3;
	_ =	sdelay $0x4  }
0xf2: {  	[tilespmem:s0], [sflag:$0x1] =	stream.indirect_vreg.gather [hbm4b:s24+s5], $0x80, v3, vm0, $0xb8;
	[tilespmem:$0x1C100] =	vst v63  }
0xf3: {  	s21 =	simm.s32 $0x900  }
0xf4: {  	[tilespmem:s21], [sflag:$0x1] =	stream.indirect_vreg.gather [hbm4b:s8+s5], $0x80, v3, vm0, $0xb8;
	[tilespmem:$0x1C100] =	vst v63  }
0xf5: {  	s18 =	simm.s32 $0x1100  }
0xf6: {  	[tilespmem:s18], [sflag:$0x1] =	stream.indirect_vreg.gather [hbm4b:s9+s5], $0x80, v3, vm0, $0xb8;
	[tilespmem:$0x1C100] =	vst v63  }
0xf7: {  	s17 =	simm.s32 $0x1900  }
0xf8: {  	[tilespmem:s17], [sflag:$0x1] =	stream.indirect_vreg.gather [hbm4b:s10+s5], $0x80, v3, vm0, $0xb8;
	[tilespmem:$0x1C100] =	vst v63  }
0xf9: {  	s21 =	simm.s32 $0xE100;
	s18 =	rddreg [dreg:$0xd]  }
0xfa: {  	[hbm4b:s18+s5] =	stream.linear.scatter [tilespmem:s21], [sflag:$0x4], $0xE000, $0x38;
	[tilespmem:$0x1C100] =	vst v63  }
0xfb: {  	_ =	swait.ge [sflag:s29], $0x2000  }
0xfc: {  	[sflag:s29] =	ssyncset.done $0x0  }
0xfd: {  	s17 =	simm.s32 $0x4;
	[sflag:s29] =	ssyncadd.s32 $0xFFFFE000  }
0xfe: {  	_ =	swait.ge [sflag:s17], $0xE000  }
0xff: {  	[sflag:s17] =	ssyncset.done $0x0  }
0x100: {  	[sflag:s17] =	ssyncadd.s32 $0xFFFF2000  }
0x101: {  	v3 =	vld [tilespmem:$0x80];
	_ =	sdelay $0x4  }
0x102: {  	v56 =	vshll.u32 v3, $0x3  }
0x103: {  	v3 =	vand.u32 $0x7, v3;
	v4 =	vand.u32 $0xFFFFFFC0, v56  }
0x104: {  	v3 =	vor.u32 v3, v4  }
0x105: {  	v4 =	vperm.xlane v3, v0;
	_ =	sdelay $0x1  }
0x106: {  	v4 =	vadd.s32 v1, v4;
	_ =	sdelay $0x3  }
0x107: {  	s18 =	rddreg [dreg:$0x1]  }
0x108: {  	[tilespmem:s21], [sflag:$0x2] =	stream.indirect_vreg.gather [hbm4b:s18+s5], $0x80, v4, vm0, $0xb8;
	[tilespmem:$0x1C100] =	vst v63  }
0x109: {  	v3 =	vperm.xlane v3, v2  }
0x10a: {  	[tilespmem:s30], [sflag:$0x2] =	stream.indirect_vreg.gather [hbm4b:s11+s5], $0x80, v4, vm0, $0xb8;
	[tilespmem:$0x1C100] =	vst v63  }
0x10b: {  	v3 =	vadd.s32 v1, v3  }
0x10c: {  	[tilespmem:s19], [sflag:$0x2] =	stream.indirect_vreg.gather [hbm4b:s12+s5], $0x80, v4, vm0, $0xb8;
	[tilespmem:$0x1C100] =	vst v63  }
0x10d: {  	_ = 	snop  }
0x10e: {  	[tilespmem:s25], [sflag:$0x2] =	stream.indirect_vreg.gather [hbm4b:s13+s5], $0x80, v4, vm0, $0xb8;
	[tilespmem:$0x1C100] =	vst v63  }
0x10f: {  	_ = 	snop  }
0x110: {  	[tilespmem:s4], [sflag:$0x2] =	stream.indirect_vreg.gather [hbm4b:s18+s5], $0x80, v3, vm0, $0xb8;
	[tilespmem:$0x1C100] =	vst v63  }
0x111: {  	_ = 	snop  }
0x112: {  	[tilespmem:s20], [sflag:$0x2] =	stream.indirect_vreg.gather [hbm4b:s11+s5], $0x80, v3, vm0, $0xb8;
	[tilespmem:$0x1C100] =	vst v63  }
0x113: {  	s30 =	simm.s32 $0x11100  }
0x114: {  	[tilespmem:s30], [sflag:$0x2] =	stream.indirect_vreg.gather [hbm4b:s12+s5], $0x80, v3, vm0, $0xb8;
	[tilespmem:$0x1C100] =	vst v63  }
0x115: {  	_ = 	snop  }
0x116: {  	[tilespmem:s6], [sflag:$0x2] =	stream.indirect_vreg.gather [hbm4b:s13+s5], $0x80, v3, vm0, $0xb8;
	[tilespmem:$0x1C100] =	vst v63  }
0x117: {  	v3 =	vld [tilespmem:$0x90];
	_ =	sdelay $0x4  }
0x118: {  	v57 =	vshll.u32 v3, $0x3  }
0x119: {  	v3 =	vand.u32 $0x7, v3;
	v4 =	vand.u32 $0xFFFFFFC0, v57  }
0x11a: {  	v3 =	vor.u32 v3, v4  }
0x11b: {  	v4 =	vperm.xlane v3, v0;
	_ =	sdelay $0x1  }
0x11c: {  	v4 =	vadd.s32 v1, v4;
	_ =	sdelay $0x4  }
0x11d: {  	[tilespmem:s1], [sflag:$0x2] =	stream.indirect_vreg.gather [hbm4b:s18+s5], $0x80, v4, vm0, $0xb8;
	[tilespmem:$0x1C100] =	vst v63  }
0x11e: {  	v3 =	vperm.xlane v3, v2  }
0x11f: {  	[tilespmem:s3], [sflag:$0x2] =	stream.indirect_vreg.gather [hbm4b:s11+s5], $0x80, v4, vm0, $0xb8;
	[tilespmem:$0x1C100] =	vst v63  }
0x120: {  	v3 =	vadd.s32 v1, v3  }
0x121: {  	[tilespmem:s14], [sflag:$0x2] =	stream.indirect_vreg.gather [hbm4b:s12+s5], $0x80, v4, vm0, $0xb8;
	[tilespmem:$0x1C100] =	vst v63  }
0x122: {  	_ = 	snop  }
0x123: {  	[tilespmem:s31], [sflag:$0x2] =	stream.indirect_vreg.gather [hbm4b:s13+s5], $0x80, v4, vm0, $0xb8;
	[tilespmem:$0x1C100] =	vst v63  }
0x124: {  	s4 =	simm.s32 $0x14100  }
0x125: {  	[tilespmem:s4], [sflag:$0x2] =	stream.indirect_vreg.gather [hbm4b:s18+s5], $0x80, v3, vm0, $0xb8;
	[tilespmem:$0x1C100] =	vst v63  }
0x126: {  	_ = 	snop  }
0x127: {  	[tilespmem:s7], [sflag:$0x2] =	stream.indirect_vreg.gather [hbm4b:s11+s5], $0x80, v3, vm0, $0xb8;
	[tilespmem:$0x1C100] =	vst v63  }
0x128: {  	s6 =	simm.s32 $0x15100  }
0x129: {  	[tilespmem:s6], [sflag:$0x2] =	stream.indirect_vreg.gather [hbm4b:s12+s5], $0x80, v3, vm0, $0xb8;
	[tilespmem:$0x1C100] =	vst v63  }
0x12a: {  	_ = 	snop  }
0x12b: {  	[tilespmem:s28], [sflag:$0x2] =	stream.indirect_vreg.gather [hbm4b:s13+s5], $0x80, v3, vm0, $0xb8;
	[tilespmem:$0x1C100] =	vst v63  }
0x12c: {  	v3 =	vld [tilespmem:$0xA0];
	_ =	sdelay $0x4  }
0x12d: {  	v58 =	vshll.u32 v3, $0x3  }
0x12e: {  	v3 =	vand.u32 $0x7, v3;
	v4 =	vand.u32 $0xFFFFFFC0, v58  }
0x12f: {  	v3 =	vor.u32 v3, v4  }
0x130: {  	v4 =	vperm.xlane v3, v0;
	_ =	sdelay $0x1  }
0x131: {  	v4 =	vadd.s32 v1, v4;
	_ =	sdelay $0x4  }
0x132: {  	[tilespmem:s26], [sflag:$0x2] =	stream.indirect_vreg.gather [hbm4b:s18+s5], $0x80, v4, vm0, $0xb8;
	[tilespmem:$0x1C100] =	vst v63  }
0x133: {  	s7 =	simm.s32 $0x16900;
	v3 =	vperm.xlane v3, v2  }
0x134: {  	[tilespmem:s7], [sflag:$0x2] =	stream.indirect_vreg.gather [hbm4b:s11+s5], $0x80, v4, vm0, $0xb8;
	[tilespmem:$0x1C100] =	vst v63  }
0x135: {  	s14 =	simm.s32 $0x17100;
	v3 =	vadd.s32 v1, v3  }
0x136: {  	[tilespmem:s14], [sflag:$0x2] =	stream.indirect_vreg.gather [hbm4b:s12+s5], $0x80, v4, vm0, $0xb8;
	[tilespmem:$0x1C100] =	vst v63  }
0x137: {  	s19 =	simm.s32 $0x17900  }
0x138: {  	[tilespmem:s19], [sflag:$0x2] =	stream.indirect_vreg.gather [hbm4b:s13+s5], $0x80, v4, vm0, $0xb8;
	[tilespmem:$0x1C100] =	vst v63  }
0x139: {  	s20 =	simm.s32 $0x18100  }
0x13a: {  	[tilespmem:s20], [sflag:$0x2] =	stream.indirect_vreg.gather [hbm4b:s18+s5], $0x80, v3, vm0, $0xb8;
	[tilespmem:$0x1C100] =	vst v63  }
0x13b: {  	s30 =	simm.s32 $0x18900  }
0x13c: {  	[tilespmem:s30], [sflag:$0x2] =	stream.indirect_vreg.gather [hbm4b:s11+s5], $0x80, v3, vm0, $0xb8;
	[tilespmem:$0x1C100] =	vst v63  }
0x13d: {  	s31 =	simm.s32 $0x19100  }
0x13e: {  	[tilespmem:s31], [sflag:$0x2] =	stream.indirect_vreg.gather [hbm4b:s12+s5], $0x80, v3, vm0, $0xb8;
	[tilespmem:$0x1C100] =	vst v63  }
0x13f: {  	s2 =	simm.s32 $0x19900  }
0x140: {  	[tilespmem:s2], [sflag:$0x2] =	stream.indirect_vreg.gather [hbm4b:s13+s5], $0x80, v3, vm0, $0xb8;
	[tilespmem:$0x1C100] =	vst v63  }
0x141: {  	v3 =	vld.msk [tilespmem:$0xB0], $0xff;
	_ =	sdelay $0x4  }
0x142: {  	v59 =	vshll.u32 v3, $0x3  }
0x143: {  	v3 =	vand.u32 $0x7, v3;
	v4 =	vand.u32 $0xFFFFFFC0, v59  }
0x144: {  	v3 =	vor.u32 v3, v4  }
0x145: {  	v3 =	vperm.xlane v3, v0;
	_ =	sdelay $0x1  }
0x146: {  	v3 =	vadd.s32 v1, v3;
	_ =	sdelay $0x3  }
0x147: {  	s3 =	simm.s32 $0x1A100  }
0x148: {  	[tilespmem:s3], [sflag:$0x2] =	stream.indirect_vreg.gather [hbm4b:s18+s5], $0x80, v3, vm0, $0xb8;
	[tilespmem:$0x1C100] =	vst v63  }
0x149: {  	s4 =	simm.s32 $0x1A900  }
0x14a: {  	[tilespmem:s4], [sflag:$0x2] =	stream.indirect_vreg.gather [hbm4b:s11+s5], $0x80, v3, vm0, $0xb8;
	[tilespmem:$0x1C100] =	vst v63  }
0x14b: {  	s6 =	simm.s32 $0x1B100  }
0x14c: {  	[tilespmem:s6], [sflag:$0x2] =	stream.indirect_vreg.gather [hbm4b:s12+s5], $0x80, v3, vm0, $0xb8;
	[tilespmem:$0x1C100] =	vst v63  }
0x14d: {  	s14 =	simm.s32 $0x1B900  }
0x14e: {  	[tilespmem:s14], [sflag:$0x2] =	stream.indirect_vreg.gather [hbm4b:s13+s5], $0x80, v3, vm0, $0xb8;
	[tilespmem:$0x1C100] =	vst v63  }
0x14f: {  	s7 =	rddreg [dreg:$0xe]  }
0x150: {  	[hbm4b:s7+s5] =	stream.linear.scatter [tilespmem:s0], [sflag:$0x3], $0x2000, $0x38;
	[tilespmem:$0x1C100] =	vst v63  }
0x151: {  	_ =	swait.ge [sflag:s15], $0xE000  }
0x152: {  	[sflag:s15] =	ssyncset.done $0x0  }
0x153: {  	[sflag:s15] =	ssyncadd.s32 $0xFFFF2000  }
0x154: {  	_ =	swait.ge [sflag:s16], $0x2000  }
0x155: {  	[sflag:s16] =	ssyncset.done $0x0  }
0x156: {  	[sflag:s16] =	ssyncadd.s32 $0xFFFFE000  }
0x157: {  	v3 =	vld [tilespmem:$0xC0];
	_ =	sdelay $0x4  }
0x158: {  	v60 =	vshll.u32 v3, $0x3  }
0x159: {  	v3 =	vand.u32 $0x7, v3;
	v4 =	vand.u32 $0xFFFFFFC0, v60  }
0x15a: {  	v3 =	vor.u32 v3, v4  }
0x15b: {  	v4 =	vperm.xlane v3, v0;
	_ =	sdelay $0x1  }
0x15c: {  	v4 =	vadd.s32 v1, v4;
	_ =	sdelay $0x2  }
0x15d: {  	s1 =	sld [smem:$0x7F0]  }
0x15e: {  	s30 =	rddreg [dreg:$0x2]  }
0x15f: {  	[tilespmem:s0], [sflag:$0x1] =	stream.indirect_vreg.gather [hbm4b:s30+s5], $0x80, v4, vm0, $0xb8;
	[tilespmem:$0x1C100] =	vst v63  }
0x160: {  	s15 =	simm.s32 $0x900;
	s6 =	sld [smem:$0x7F1];
	v3 =	vperm.xlane v3, v2  }
0x161: {  	[tilespmem:s15], [sflag:$0x1] =	stream.indirect_vreg.gather [hbm4b:s1+s5], $0x80, v4, vm0, $0xb8;
	[tilespmem:$0x1C100] =	vst v63  }
0x162: {  	s19 =	simm.s32 $0x1100;
	s14 =	sld [smem:$0x7F2];
	v3 =	vadd.s32 v1, v3  }
0x163: {  	[tilespmem:s19], [sflag:$0x1] =	stream.indirect_vreg.gather [hbm4b:s6+s5], $0x80, v4, vm0, $0xb8;
	[tilespmem:$0x1C100] =	vst v63  }
0x164: {  	s20 =	simm.s32 $0x1900  }
0x165: {  	[tilespmem:s20], [sflag:$0x1] =	stream.indirect_vreg.gather [hbm4b:s14+s5], $0x80, v4, vm0, $0xb8;
	[tilespmem:$0x1C100] =	vst v63  }
0x166: {  	s31 =	simm.s32 $0x2100  }
0x167: {  	[tilespmem:s31], [sflag:$0x1] =	stream.indirect_vreg.gather [hbm4b:s30+s5], $0x80, v3, vm0, $0xb8;
	[tilespmem:$0x1C100] =	vst v63  }
0x168: {  	s3 =	simm.s32 $0x2900  }
0x169: {  	[tilespmem:s3], [sflag:$0x1] =	stream.indirect_vreg.gather [hbm4b:s1+s5], $0x80, v3, vm0, $0xb8;
	[tilespmem:$0x1C100] =	vst v63  }
0x16a: {  	s4 =	simm.s32 $0x3100  }
0x16b: {  	[tilespmem:s4], [sflag:$0x1] =	stream.indirect_vreg.gather [hbm4b:s6+s5], $0x80, v3, vm0, $0xb8;
	[tilespmem:$0x1C100] =	vst v63  }
0x16c: {  	s7 =	simm.s32 $0x3900  }
0x16d: {  	[tilespmem:s7], [sflag:$0x1] =	stream.indirect_vreg.gather [hbm4b:s14+s5], $0x80, v3, vm0, $0xb8;
	[tilespmem:$0x1C100] =	vst v63  }
0x16e: {  	v3 =	vld.msk [tilespmem:$0xD0], $0xff;
	_ =	sdelay $0x4  }
0x16f: {  	v61 =	vshll.u32 v3, $0x3  }
0x170: {  	v3 =	vand.u32 $0x7, v3;
	v4 =	vand.u32 $0xFFFFFFC0, v61  }
0x171: {  	v3 =	vor.u32 v3, v4  }
0x172: {  	v3 =	vperm.xlane v3, v0;
	_ =	sdelay $0x1  }
0x173: {  	v3 =	vadd.s32 v1, v3;
	_ =	sdelay $0x3  }
0x174: {  	s15 =	simm.s32 $0x4100  }
0x175: {  	[tilespmem:s15], [sflag:$0x1] =	stream.indirect_vreg.gather [hbm4b:s30+s5], $0x80, v3, vm0, $0xb8;
	[tilespmem:$0x1C100] =	vst v63  }
0x176: {  	s19 =	simm.s32 $0x4900  }
0x177: {  	[tilespmem:s19], [sflag:$0x1] =	stream.indirect_vreg.gather [hbm4b:s1+s5], $0x80, v3, vm0, $0xb8;
	[tilespmem:$0x1C100] =	vst v63  }
0x178: {  	s20 =	simm.s32 $0x5100  }
0x179: {  	[tilespmem:s20], [sflag:$0x1] =	stream.indirect_vreg.gather [hbm4b:s6+s5], $0x80, v3, vm0, $0xb8;
	[tilespmem:$0x1C100] =	vst v63  }
0x17a: {  	s31 =	simm.s32 $0x5900;
	s3 =	sld [smem:$0x7F9]  }
0x17b: {  	[tilespmem:s31], [sflag:$0x1] =	stream.indirect_vreg.gather [hbm4b:s14+s5], $0x80, v3, vm0, $0xb8;
	[tilespmem:$0x1C100] =	vst v63  }
0x17c: {  	s21 =	simm.s32 $0xE100  }
0x17d: {  	[hbm4b:s3+s5] =	stream.linear.scatter [tilespmem:s21], [sflag:$0x4], $0xE000, $0x38;
	[tilespmem:$0x1C100] =	vst v63  }
0x17e: {  	_ =	swait.ge [sflag:s29], $0x6000  }
0x17f: {  	s4 =	sld [smem:$0x7FA]  }
0x180: {  	[sflag:s29] =	ssyncset.done $0x0  }
0x181: {  	[sflag:s29] =	ssyncadd.s32 $0xFFFFA000  }
0x182: {  	[hbm4b:s4+s5] =	stream.linear.scatter [tilespmem:s0], [sflag:$0x3], $0x6000, $0x38;
	[tilespmem:$0x1C100] =	vst v63  }
0x183: {  	_ =	swait.ge [sflag:s17], $0xE000  }
0x184: {  	[sflag:s17] =	ssyncset.done $0x0  }
0x185: {  	[sflag:s17] =	ssyncadd.s32 $0xFFFF2000  }
0x186: {  	_ =	swait.ge [sflag:s16], $0x6000  }
0x187: {  	[sflag:s16] =	ssyncset.done $0x0  }
0x188: {  	[sflag:s16] =	ssyncadd.s32 $0xFFFFA000  }
0x189: {  	v3 =	vld.msk @p0 [tilespmem:$0xE0], $0xff;
	_ =	sdelay $0x4  }
0x18a: {  	v4 =	vshll.u32 @p0 v3, $0x3  }
0x18b: {  	v5 =	vlaneseq.u32 @p0;
	v3 =	vand.u32 @p0 $0x7, v3;
	v4 =	vand.u32 @p0 $0xFFFFFFC0, v4  }
0x18c: {  	v3 =	vor.u32 @p0 v3, v4;
	v4 =	vand.u32 @p0 $0x7, v5;
	v5 =	vshrl.u32 @p0 v5, $0x3  }
0x18d: {  	v3 =	vperm.xlane @p0 v3, v4;
	v4 =	vmul.u32 @p0 $0x8, v5;
	_ =	sdelay $0x1  }
0x18e: {  	v3 =	vadd.s32 @p0 v4, v3;
	_ =	sdelay $0x1  }
0x18f: {  	s3 =	sld [smem:$0x7EF];
	_ =	sdelay $0x1  }
0x190: {  	s2 =	simm.s32 @p0 $0x0;
	s31 =	simm.s32 @p0 $0x100;
	s4 =	sld [smem:$0x7FB]  }
0x191: {  	[tilespmem:s31], [sflag:$0x1] =	stream.indirect_vreg.gather @p0 [hbm4b:s3+s2], $0x80, v3, vm1, $0xb8;
	[tilespmem:$0x1C100] =	vst v63  }
0x192: {  	s19 =	sld [smem:$0x7FC];
	s31 =	simm.s32 @p0 $0x900  }
0x193: {  	[tilespmem:s31], [sflag:$0x1] =	stream.indirect_vreg.gather @p0 [hbm4b:s4+s2], $0x80, v3, vm1, $0xb8;
	[tilespmem:$0x1C100] =	vst v63  }
0x194: {  	s20 =	sld [smem:$0x7FD];
	s31 =	simm.s32 @p0 $0x1100  }
0x195: {  	[tilespmem:s31], [sflag:$0x1] =	stream.indirect_vreg.gather @p0 [hbm4b:s19+s2], $0x80, v3, vm1, $0xb8;
	[tilespmem:$0x1C100] =	vst v63  }
0x196: {  	s31 =	simm.s32 @p0 $0x1900  }
0x197: {  	[tilespmem:s31], [sflag:$0x1] =	stream.indirect_vreg.gather @p0 [hbm4b:s20+s2], $0x80, v3, vm1, $0xb8;
	[tilespmem:$0x1C100] =	vst v63  }
0x198: {  	v3 =	vld.msk @!p0 [tilespmem:$0x78], $0xff;
	_ =	sdelay $0x4  }
0x199: {  	v4 =	vshll.u32 @!p0 v3, $0x3  }
0x19a: {  	v5 =	vlaneseq.u32 @!p0;
	v3 =	vand.u32 @!p0 $0x7, v3;
	v4 =	vand.u32 @!p0 $0xFFFFFFC0, v4  }
0x19b: {  	v3 =	vor.u32 @!p0 v3, v4;
	v4 =	vand.u32 @!p0 $0x7, v5;
	v5 =	vshrl.u32 @!p0 v5, $0x3  }
0x19c: {  	v3 =	vperm.xlane @!p0 v3, v4;
	v4 =	vmul.u32 @!p0 $0x8, v5;
	_ =	sdelay $0x1  }
0x19d: {  	v3 =	vadd.s32 @!p0 v4, v3;
	_ =	sdelay $0x3  }
0x19e: {  	s2 =	simm.s32 @!p0 $0x0;
	s31 =	simm.s32 @!p0 $0x100  }
0x19f: {  	[tilespmem:s31], [sflag:$0x1] =	stream.indirect_vreg.gather @!p0 [hbm4b:s24+s2], $0x80, v3, vm2, $0xb8;
	[tilespmem:$0x1C100] =	vst v63  }
0x1a0: {  	s31 =	simm.s32 @!p0 $0x900  }
0x1a1: {  	[tilespmem:s31], [sflag:$0x1] =	stream.indirect_vreg.gather @!p0 [hbm4b:s8+s2], $0x80, v3, vm2, $0xb8;
	[tilespmem:$0x1C100] =	vst v63  }
0x1a2: {  	s31 =	simm.s32 @!p0 $0x1100  }
0x1a3: {  	[tilespmem:s31], [sflag:$0x1] =	stream.indirect_vreg.gather @!p0 [hbm4b:s9+s2], $0x80, v3, vm2, $0xb8;
	[tilespmem:$0x1C100] =	vst v63  }
0x1a4: {  	s31 =	simm.s32 @!p0 $0x1900  }
0x1a5: {  	[tilespmem:s31], [sflag:$0x1] =	stream.indirect_vreg.gather @!p0 [hbm4b:s10+s2], $0x80, v3, vm2, $0xb8;
	[tilespmem:$0x1C100] =	vst v63  }
0x1a6: {  	_ =	swait.ge [sflag:s29], $0x2000  }
0x1a7: {  	[sflag:s29] =	ssyncset.done $0x0  }
0x1a8: {  	s7 =	rddreg [dreg:$0xf];
	[sflag:s29] =	ssyncadd.s32 $0xFFFFE000  }
0x1a9: {  	[hbm4b:s7+s5] =	stream.linear.scatter [tilespmem:s0], [sflag:$0x5], $0x2000, $0x38;
	[tilespmem:$0x1C100] =	vst v63  }
0x1aa: {  	_ =	swait.ge [sflag:s23], $0x2000  }
0x1ab: {  	s2 =	simm.s32 @!p0 $0xB8;
	[sflag:s23] =	ssyncset.done $0x0  }
0x1ac: {  	s2 =	simm.s32 @p0 $0xE8;
	[sflag:s23] =	ssyncadd.s32 $0xFFFFE000  }
0x1ad: {  	v3 =	vld.msk [tilespmem:s2+$0x0], $0xff;
	_ =	sdelay $0x4  }
0x1ae: {  	v62 =	vshll.u32 v3, $0x3  }
0x1af: {  	v3 =	vand.u32 $0x7, v3;
	v4 =	vand.u32 $0xFFFFFFC0, v62  }
0x1b0: {  	v3 =	vor.u32 v3, v4  }
0x1b1: {  	v3 =	vperm.xlane v3, v0;
	_ =	sdelay $0x1  }
0x1b2: {  	v3 =	vadd.s32 v1, v3;
	_ =	sdelay $0x3  }
0x1b3: {  	s18 =	smov.u32 @p0 s3;
	s2 =	smov.u32 s11  }
0x1b4: {  	[tilespmem:s0], [sflag:$0x1] =	stream.indirect_vreg.gather [hbm4b:s18+s5], $0x80, v3, vm0, $0xb8;
	[tilespmem:$0x1C100] =	vst v63  }
0x1b5: {  	s15 =	simm.s32 $0x900;
	s2 =	smov.u32 @p0 s4  }
0x1b6: {  	[tilespmem:s15], [sflag:$0x1] =	stream.indirect_vreg.gather [hbm4b:s2+s5], $0x80, v3, vm0, $0xb8;
	[tilespmem:$0x1C100] =	vst v63  }
0x1b7: {  	s2 =	smov.u32 s12  }
0x1b8: {  	s17 =	simm.s32 $0x1100;
	s2 =	smov.u32 @p0 s19  }
0x1b9: {  	[tilespmem:s17], [sflag:$0x1] =	stream.indirect_vreg.gather [hbm4b:s2+s5], $0x80, v3, vm0, $0xb8;
	[tilespmem:$0x1C100] =	vst v63  }
0x1ba: {  	s2 =	smov.u32 s13  }
0x1bb: {  	s18 =	simm.s32 $0x1900;
	s2 =	smov.u32 @p0 s20  }
0x1bc: {  	[tilespmem:s18], [sflag:$0x1] =	stream.indirect_vreg.gather [hbm4b:s2+s5], $0x80, v3, vm0, $0xb8;
	[tilespmem:$0x1C100] =	vst v63  }
0x1bd: {  	_ =	swait.ge [sflag:s29], $0x2000  }
0x1be: {  	[sflag:s29] =	ssyncset.done $0x0  }
0x1bf: {  	s21 =	rddreg [dreg:$0x10];
	[sflag:s29] =	ssyncadd.s32 $0xFFFFE000  }
0x1c0: {  	[hbm4b:s21+s5] =	stream.linear.scatter [tilespmem:s0], [sflag:$0x5], $0x2000, $0x38;
	[tilespmem:$0x1C100] =	vst v63  }
0x1c1: {  	_ =	swait.ge [sflag:s23], $0x2000  }
0x1c2: {  	s2 =	simm.s32 @!p0 $0xD8;
	[sflag:s23] =	ssyncset.done $0x0  }
0x1c3: {  	s2 =	simm.s32 @p0 $0xF0;
	[sflag:s23] =	ssyncadd.s32 $0xFFFFE000  }
0x1c4: {  	v3 =	vld.msk [tilespmem:s2+$0x0], $0xff;
	_ =	sdelay $0x4  }
0x1c5: {  	v63 =	vshll.u32 v3, $0x3  }
0x1c6: {  	v3 =	vand.u32 $0x7, v3;
	v4 =	vand.u32 $0xFFFFFFC0, v63  }
0x1c7: {  	v3 =	vor.u32 v3, v4  }
0x1c8: {  	v3 =	vperm.xlane v3, v0;
	_ =	sdelay $0x1  }
0x1c9: {  	v3 =	vadd.s32 v1, v3;
	_ =	sdelay $0x3  }
0x1ca: {  	s30 =	smov.u32 @p0 s3;
	s2 =	smov.u32 s1  }
0x1cb: {  	[tilespmem:s0], [sflag:$0x1] =	stream.indirect_vreg.gather [hbm4b:s30+s5], $0x80, v3, vm0, $0xb8;
	[tilespmem:$0x1C100] =	vst v63  }
0x1cc: {  	s2 =	smov.u32 @p0 s4  }
0x1cd: {  	[tilespmem:s15], [sflag:$0x1] =	stream.indirect_vreg.gather [hbm4b:s2+s5], $0x80, v3, vm0, $0xb8;
	[tilespmem:$0x1C100] =	vst v63  }
0x1ce: {  	s2 =	smov.u32 s6  }
0x1cf: {  	s2 =	smov.u32 @p0 s19  }
0x1d0: {  	[tilespmem:s17], [sflag:$0x1] =	stream.indirect_vreg.gather [hbm4b:s2+s5], $0x80, v3, vm0, $0xb8;
	[tilespmem:$0x1C100] =	vst v63  }
0x1d1: {  	s2 =	smov.u32 s14  }
0x1d2: {  	s2 =	smov.u32 @p0 s20  }
0x1d3: {  	[tilespmem:s18], [sflag:$0x1] =	stream.indirect_vreg.gather [hbm4b:s2+s5], $0x80, v3, vm0, $0xb8;
	[tilespmem:$0x1C100] =	vst v63  }
0x1d4: {  	s22 =	sadd.s32 $0xFFFFFFFF, s22;
	_ =	swait.ge [sflag:s29], $0x2000  }
0x1d5: {  	p1 =	sne.s32 s22, $0x0;
	[sflag:s29] =	ssyncset.done $0x0  }
.Ltmp0:
0x1d6: {  	s31 =	rddreg [dreg:$0x11];
	[sflag:s29] =	ssyncadd.s32 $0xFFFFE000;
	(pc) =	sbr.rel @p1 .LBB2_1-.Ltmp0, $4  }
0x1d7: {  	[hbm4b:s31+s5] =	stream.linear.scatter [tilespmem:s0], [sflag:$0x5], $0x2000, $0x38;
	[tilespmem:$0x1C100] =	vst v63  }
0x1d8: {  	_ =	swait.ge [sflag:s23], $0x2000  }
0x1d9: {  	[sflag:s23] =	ssyncset.done $0x0  }
0x1da: {  	[sflag:s23] =	ssyncadd.s32 $0xFFFFE000  }
0x1db: {  	_ =	sfence.sel $0x180000  }
0x1dc: {  	[bflag:$0x0] =	sbarrier.arrive $0xFFFF  }
0x1dd: {  	_ =	strace $0x90000047  }
0x1de: {  	s0 =	stileid.u32;
	[bflag:$0x2] =	sbarrier.arrive $0xFFFF  }
0x1df: {  	p0 =	sne.s32 s0, $0x0;
	s0 =	rddreg [dreg:$0x8]  }
0x1e0: {  	s0 =	sadd.s32 @!p0 $0x100000, s0  }
0x1e1: {  	[sflag:s0] =	ssyncadd.tile.s32 @!p0 $0x1;
	_ =	shalt  }
.Lfunc_end2:
_tile_overlayer_lowered:
.L_overlay_start_2:
0x1e2: {  	(tag) =	ssettag $0x2  }
0x1e3: {  	s0 =	rddreg [dreg:$0x0];
	s2 =	stileid.u32  }
0x1e4: {  	s1 =	rddreg [dreg:$0x1];
	p0 =	sne.s32 s2, $0x0  }
0x1e5: {  	s3 =	rddreg [dreg:$0x2];
	[bflag:$0x3] =	sbarrier.arrive $0xFFFF;
	s2 =	simm.s32 @!p0 $0x1C05  }
0x1e6: {  	[timem:s3], [sflag:s2] =	dma.local @!p0 [hbm:s0], s1  }
0x1e7: {  	s0 =	simm.s32 @!p0 $0x5  }
0x1e8: {  	_ =	swait.ge @!p0 [sflag:s0], s1  }
0x1e9: {  	s1 =	ssub.s32 @!p0 $0x0, s1;
	[sflag:s0] =	ssyncset.done @!p0 $0x0  }
0x1ea: {  	[sflag:s0] =	ssyncadd.s32 @!p0 s1  }
0x1eb: {  	[bflag:$0x3] =	sbarrier.arrive $0xFFFF  }
0x1ec: {  	_ =	shalt  }

</sc_bundles>
